<compile_context>
chip_gen: v7x
topology: tpu7x:2x2x1
jax: 0.10.2.dev20260603
libtpu: 0.0.44.dev20260713+nightly
codegen_flags: <defaults>
</compile_context>

<pallas_src>
import jax
import jax.numpy as jnp
from jax import lax
from jax.experimental import pallas as pl
from jax.experimental.pallas import tpu as pltpu
from jax.experimental.pallas import tpu_sc as plsc

N_NODES = 10000
N_EDGES = 320000
D = 128
NUM_GRAPHS = 64

NC, NS, L = 2, 16, 16
NW = NC * NS
CHUNK = 125
N_CHUNKS = N_EDGES // CHUNK
CPW = N_CHUNKS // NW
IB = 40
ROWS_PER_TILE = 632
ACC_ROWS = ROWS_PER_TILE * NS

BLK = 2000
NBLK = N_NODES // BLK


def _scale_body(x_ref, norm_ref, o_ref):
    o_ref[...] = x_ref[...] * norm_ref[...]


def _edge_agg_body(h1_hbm, edges_hbm, out_hbm,
                   src_v, dst_v, rows_v, zero_v, acc_sh,
                   gsem0, gsem1, ssem0, ssem1):
    c = lax.axis_index("c")
    s = lax.axis_index("s")

    def zero_acc():
        zvec = jnp.zeros((L,), jnp.float32)
        for r in range(16):
            for q in range(D // L):
                zero_v[r, pl.ds(q * L, L)] = zvec

        def zbody(i, carry):
            pltpu.async_copy(
                zero_v, acc_sh.at[pl.ds(s * ROWS_PER_TILE + i * 16, 16)],
                gsem0)
            return carry
        lax.fori_loop(0, ROWS_PER_TILE // 16, zbody, 0)
        pltpu.async_copy(
            zero_v.at[pl.ds(0, ROWS_PER_TILE % 16)],
            acc_sh.at[pl.ds(s * ROWS_PER_TILE + 16 * (ROWS_PER_TILE // 16),
                            ROWS_PER_TILE % 16)], gsem1)

        def zdrain(i, carry):
            pltpu.make_async_copy(
                zero_v, acc_sh.at[pl.ds(s * ROWS_PER_TILE, 16)], gsem0).wait()
            return carry
        lax.fori_loop(0, ROWS_PER_TILE // 16, zdrain, 0)
        pltpu.make_async_copy(
            zero_v.at[pl.ds(0, ROWS_PER_TILE % 16)],
            acc_sh.at[pl.ds(s * ROWS_PER_TILE, ROWS_PER_TILE % 16)],
            gsem1).wait()

    def fire_gather(g, p, sem):
        pltpu.async_copy(h1_hbm.at[src_v.at[g]], rows_v.at[p], sem)

    def drain_gather(g, p, sem):
        pltpu.make_async_copy(h1_hbm.at[src_v.at[g]],
                              rows_v.at[p], sem).wait()

    def fire_scatter(g, p, sem):
        pltpu.async_copy(rows_v.at[p], acc_sh.at[dst_v.at[g]], sem, add=True)

    def drain_scatter(g, p, sem):
        pltpu.make_async_copy(rows_v.at[p],
                              acc_sh.at[dst_v.at[g]], sem).wait()

    def load_idx(base):
        pltpu.async_copy(edges_hbm.at[0, pl.ds(base, IB)], src_v, ssem0)
        pltpu.async_copy(edges_hbm.at[1, pl.ds(base, IB)], dst_v, ssem1)
        pltpu.make_async_copy(edges_hbm.at[0, pl.ds(base, IB)], src_v,
                              ssem0).wait()
        pltpu.make_async_copy(edges_hbm.at[1, pl.ds(base, IB)], dst_v,
                              ssem1).wait()

    def run_round(base, first):
        if not first:
            load_idx(base)
            fire_gather(0, 0, gsem0)
            fire_gather(1, 1, gsem1)

        def body(i, carry):
            g0 = 2 * i
            drain_gather(g0, 0, gsem0)
            fire_scatter(g0, 0, ssem0)
            drain_gather(g0 + 1, 1, gsem1)
            drain_scatter(g0, 0, ssem0)

            @pl.when(i < IB // 2 - 1)
            def _():
                fire_gather(g0 + 2, 0, gsem0)

            fire_scatter(g0 + 1, 1, ssem1)
            drain_scatter(g0 + 1, 1, ssem1)

            @pl.when(i < IB // 2 - 1)
            def _():
                fire_gather(g0 + 3, 1, gsem1)

            return carry
        lax.fori_loop(0, IB // 2, body, 0)

    wid = c * NS + s
    zero_acc()
    load_idx(wid * CPW)
    fire_gather(0, 0, gsem0)
    fire_gather(1, 1, gsem1)
    plsc.subcore_barrier()
    for r in range(CPW // IB):
        run_round(wid * CPW + r * IB, r == 0)
    plsc.subcore_barrier()
    pltpu.sync_copy(acc_sh.at[pl.ds(s * ROWS_PER_TILE, ROWS_PER_TILE)],
                    out_hbm.at[c, pl.ds(s * ROWS_PER_TILE, ROWS_PER_TILE)])


def _post_body(p_ref, norm_ref, w_ref, b_ref, gamma_ref, beta_ref, gid_ref,
               hbn_ref, phis_ref, h3_scr, sum_scr, sumsq_scr):
    ph = pl.program_id(0)
    i = pl.program_id(1)

    @pl.when(ph == 0)
    def _():
        h = (p_ref[0] + p_ref[1]) * norm_ref[...]
        h = lax.dot_general(h, w_ref[...], (((1,), (1,)), ((), ())),
                            precision=lax.Precision.HIGHEST,
                            preferred_element_type=jnp.float32)
        h = jnp.maximum(h + b_ref[...][None, :], 0.0)
        h3_scr[pl.ds(i * BLK, BLK), :] = h

        @pl.when(i == 0)
        def _():
            sum_scr[...] = jnp.zeros_like(sum_scr)
            sumsq_scr[...] = jnp.zeros_like(sumsq_scr)

        sum_scr[...] += jnp.sum(h, axis=0, keepdims=True)
        sumsq_scr[...] += jnp.sum(h * h, axis=0, keepdims=True)

    @pl.when(ph == 1)
    def _():
        inv_n = 1.0 / N_NODES
        mean = sum_scr[...] * inv_n
        var = sumsq_scr[...] * inv_n - mean * mean
        scale = gamma_ref[...][None, :] / jnp.sqrt(var + 1e-5)
        hbn = (h3_scr[pl.ds(i * BLK, BLK), :] - mean) * scale \
            + beta_ref[...][None, :]
        hbn_ref[...] = hbn

        gid = gid_ref[0]
        gids = lax.broadcasted_iota(jnp.int32, (NUM_GRAPHS, BLK), 0)
        onehot = (gids == gid).astype(jnp.float32)
        contrib = lax.dot_general(onehot, hbn, (((1,), (0,)), ((), ())),
                                  precision=lax.Precision.HIGHEST,
                                  preferred_element_type=jnp.float32)

        @pl.when(i == 0)
        def _():
            phis_ref[...] = jnp.zeros_like(phis_ref)

        phis_ref[...] += contrib


def kernel(x, edge_index, norm, graph_ids, W, b, gamma, beta):
    h1 = pl.pallas_call(
        _scale_body,
        grid=(NBLK,),
        in_specs=[pl.BlockSpec((BLK, D), lambda i: (i, 0)),
                  pl.BlockSpec((BLK, 1), lambda i: (i, 0))],
        out_specs=pl.BlockSpec((BLK, D), lambda i: (i, 0)),
        out_shape=jax.ShapeDtypeStruct((N_NODES, D), jnp.float32),
    )(x, norm)

    edges3 = edge_index.reshape(2, N_CHUNKS, CHUNK)

    mesh = plsc.VectorSubcoreMesh(core_axis_name="c", subcore_axis_name="s",
                                  num_cores=NC, num_subcores=NS)
    partials = pl.kernel(
        _edge_agg_body,
        out_type=jax.ShapeDtypeStruct((NC, ACC_ROWS, D), jnp.float32),
        mesh=mesh,
        scratch_types=[
            pltpu.VMEM((IB, CHUNK), jnp.int32),
            pltpu.VMEM((IB, CHUNK), jnp.int32),
            pltpu.VMEM((2, CHUNK, D), jnp.float32),
            pltpu.VMEM((16, D), jnp.float32),
            pltpu.VMEM_SHARED((ACC_ROWS, D), jnp.float32),
            pltpu.SemaphoreType.DMA,
            pltpu.SemaphoreType.DMA,
            pltpu.SemaphoreType.DMA,
            pltpu.SemaphoreType.DMA,
        ],
    )(h1, edges3)

    hbn, phis = pl.pallas_call(
        _post_body,
        grid=(2, NBLK),
        in_specs=[
            pl.BlockSpec((NC, BLK, D),
                         lambda ph, i: (0, jnp.where(ph == 0, i, 0), 0)),
            pl.BlockSpec((BLK, 1),
                         lambda ph, i: (jnp.where(ph == 0, i, 0), 0)),
            pl.BlockSpec((D, D), lambda ph, i: (0, 0)),
            pl.BlockSpec((D,), lambda ph, i: (0,)),
            pl.BlockSpec((D,), lambda ph, i: (0,)),
            pl.BlockSpec((D,), lambda ph, i: (0,)),
            pl.BlockSpec((1, 1, BLK),
                         lambda ph, i: (jnp.where(ph == 1, i, 0), 0, 0)),
        ],
        out_specs=[
            pl.BlockSpec((BLK, D),
                         lambda ph, i: (jnp.where(ph == 1, i, 0), 0)),
            pl.BlockSpec((NUM_GRAPHS, D), lambda ph, i: (0, 0)),
        ],
        out_shape=[jax.ShapeDtypeStruct((N_NODES, D), jnp.float32),
                   jax.ShapeDtypeStruct((NUM_GRAPHS, D), jnp.float32)],
        scratch_shapes=[pltpu.VMEM((N_NODES, D), jnp.float32),
                        pltpu.VMEM((1, D), jnp.float32),
                        pltpu.VMEM((1, D), jnp.float32)],
    )(partials, norm, W, b, gamma, beta, graph_ids.reshape(NBLK, 1, BLK))

    return (hbn, phis)

# --- scband reference (transcript-rebuilt; emitter-appended) ---
"""Pipeline reference for scband-gcnlayer-4526895530478 (READ-ONLY COPY).

The authoritative reference and input builder live on the scoring server;
editing this copy changes nothing except your own understanding.
"""

import jax, jax.numpy as jnp
import numpy as np

N_NODES = 10000
N_EDGES = 320000
D = 128
NUM_GRAPHS = 64


def setup_inputs(seed: int = 0) -> dict:
    key = jax.random.key(seed)
    ks = jax.random.split(key, 8)
    x = jax.random.normal(ks[0], (N_NODES, D), dtype=jnp.float32)
    edge_index = jax.random.randint(ks[1], (2, N_EDGES), 0, N_NODES, dtype=jnp.int32)
    norm = jax.random.uniform(ks[2], (N_NODES, 1), dtype=jnp.float32)
    graph_ids = jnp.sort(jax.random.randint(ks[3], (N_NODES,), 0, NUM_GRAPHS, dtype=jnp.int32))
    W = jax.random.normal(ks[4], (D, D), dtype=jnp.float32) * (1.0 / np.sqrt(D))
    b = jnp.zeros((D,), dtype=jnp.float32)
    gamma = jnp.ones((D,), dtype=jnp.float32)
    beta = jnp.zeros((D,), dtype=jnp.float32)
    return {"x": x, "edge_index": edge_index, "norm": norm, "graph_ids": graph_ids,
            "W": W, "b": b, "gamma": gamma, "beta": beta}


def reference(x, edge_index, norm, graph_ids, W, b, gamma, beta):
    # h = h * norm (pre-normalization, symmetric GCN norm)
    h = x * norm
    # update_all(copy_src, sum): scatter-add messages from src to dst
    src = edge_index[0]
    dst = edge_index[1]
    msgs = jnp.take(h, src, axis=0)
    h = jax.ops.segment_sum(msgs, dst, num_segments=N_NODES)
    # post-normalization
    h = h * norm
    # fc
    h = h @ W.T + b
    # relu activation
    h = jax.nn.relu(h)
    # BatchNorm1d (training mode: batch statistics, biased variance)
    mean = jnp.mean(h, axis=0)
    var = jnp.var(h, axis=0)
    h = (h - mean) / jnp.sqrt(var + 1e-5) * gamma + beta
    # gather: dgl.sum_nodes per graph
    phis = jax.ops.segment_sum(h, graph_ids, num_segments=NUM_GRAPHS)
    phis = phis.reshape(-1, D)
    return (h, phis)

if __name__ == "__main__":
    import jax
    _d = setup_inputs()
    print(jax.jit(kernel)(*tuple(_d.values())))

</pallas_src>

<mosaic_0001>
#map = affine_map<(d0, d1) -> (0, 0)>
#map1 = affine_map<(d0, d1) -> (0, 0, 0)>
module attributes {stable_mosaic.version = 14 : i64} {
  func.func @_edge_agg_body(%arg0: i32, %arg1: i32, %arg2: memref<10000x128xf32, #tpu.memory_space<hbm>>, %arg3: memref<2x2560x125xi32, #tpu.memory_space<hbm>>, %arg4: memref<2x10112x128xf32, #tpu.memory_space<hbm>>, %arg5: memref<40x125xi32, #tpu.memory_space<vmem>>, %arg6: memref<40x125xi32, #tpu.memory_space<vmem>>, %arg7: memref<2x125x128xf32, #tpu.memory_space<vmem>>, %arg8: memref<16x128xf32, #tpu.memory_space<vmem>>, %arg9: memref<10112x128xf32, #tpu.memory_space<vmem_shared>>, %arg10: memref<!tpu.dma_semaphore, #tpu.memory_space<semaphore_mem>>, %arg11: memref<!tpu.dma_semaphore, #tpu.memory_space<semaphore_mem>>, %arg12: memref<!tpu.dma_semaphore, #tpu.memory_space<semaphore_mem>>, %arg13: memref<!tpu.dma_semaphore, #tpu.memory_space<semaphore_mem>>) attributes {dimension_semantics = [#tpu.dimension_semantics<core_parallel>, #tpu.dimension_semantics<subcore_parallel>], iteration_bounds = array<i64: 2, 16>, scalar_prefetch = 0 : i64, scratch_operands = 9 : i64, tpu.core_type = #tpu.core_type<sc_vector_subcore>, window_params = [{transform_indices = #map}, {transform_indices = #map1}, {transform_indices = #map1}]} {
    %mul3A = arith.constant 16 : i32
    %mul3A_0 = arith.muli %arg0, %mul3A : i32
    %add3A = arith.addi %mul3A_0, %arg1 : i32
    %broadcast_in_dim3A = arith.constant 0.000000e+00 : f32
    %broadcast_in_dim3A_1 = vector.broadcast %broadcast_in_dim3A : f32 to vector<16xf32>
    %swap3A = arith.constant 0 : i32
    %swap3A_2 = arith.index_cast %swap3A : i32 to index
    %swap3A_3 = arith.constant 0 : index
    %swap3A_4 = tpu.vector_load %arg8[%swap3A_2, %swap3A_3] {strides = array<i32>} : memref<16x128xf32, #tpu.memory_space<vmem>>, vector<1x16xf32>,
    %swap3A_5 = vector.shape_cast %swap3A_4 : vector<1x16xf32> to vector<16xf32>
    %swap3A_6 = vector.shape_cast %broadcast_in_dim3A_1 : vector<16xf32> to vector<1x16xf32>
    tpu.vector_store %arg8[%swap3A_2, %swap3A_3], %swap3A_6 {strides = array<i32>} : memref<16x128xf32, #tpu.memory_space<vmem>>, vector<1x16xf32>,
    %swap3A_7 = arith.constant 0 : i32
    %swap3A_8 = arith.index_cast %swap3A_7 : i32 to index
    %swap3A_9 = arith.constant 16 : index
    %swap3A_10 = tpu.vector_load %arg8[%swap3A_8, %swap3A_9] {strides = array<i32>} : memref<16x128xf32, #tpu.memory_space<vmem>>, vector<1x16xf32>,
    %swap3A_11 = vector.shape_cast %swap3A_10 : vector<1x16xf32> to vector<16xf32>
    %swap3A_12 = vector.shape_cast %broadcast_in_dim3A_1 : vector<16xf32> to vector<1x16xf32>
    tpu.vector_store %arg8[%swap3A_8, %swap3A_9], %swap3A_12 {strides = array<i32>} : memref<16x128xf32, #tpu.memory_space<vmem>>, vector<1x16xf32>,
    %swap3A_13 = arith.constant 0 : i32
    %swap3A_14 = arith.index_cast %swap3A_13 : i32 to index
    %swap3A_15 = arith.constant 32 : index
    %swap3A_16 = tpu.vector_load %arg8[%swap3A_14, %swap3A_15] {strides = array<i32>} : memref<16x128xf32, #tpu.memory_space<vmem>>, vector<1x16xf32>,
    %swap3A_17 = vector.shape_cast %swap3A_16 : vector<1x16xf32> to vector<16xf32>
    %swap3A_18 = vector.shape_cast %broadcast_in_dim3A_1 : vector<16xf32> to vector<1x16xf32>
    tpu.vector_store %arg8[%swap3A_14, %swap3A_15], %swap3A_18 {strides = array<i32>} : memref<16x128xf32, #tpu.memory_space<vmem>>, vector<1x16xf32>,
    %swap3A_19 = arith.constant 0 : i32
    %swap3A_20 = arith.index_cast %swap3A_19 : i32 to index
    %swap3A_21 = arith.constant 48 : index
    %swap3A_22 = tpu.vector_load %arg8[%swap3A_20, %swap3A_21] {strides = array<i32>} : memref<16x128xf32, #tpu.memory_space<vmem>>, vector<1x16xf32>,
    %swap3A_23 = vector.shape_cast %swap3A_22 : vector<1x16xf32> to vector<16xf32>
    %swap3A_24 = vector.shape_cast %broadcast_in_dim3A_1 : vector<16xf32> to vector<1x16xf32>
    tpu.vector_store %arg8[%swap3A_20, %swap3A_21], %swap3A_24 {strides = array<i32>} : memref<16x128xf32, #tpu.memory_space<vmem>>, vector<1x16xf32>,
    %swap3A_25 = arith.constant 0 : i32
    %swap3A_26 = arith.index_cast %swap3A_25 : i32 to index
    %swap3A_27 = arith.constant 64 : index
    %swap3A_28 = tpu.vector_load %arg8[%swap3A_26, %swap3A_27] {strides = array<i32>} : memref<16x128xf32, #tpu.memory_space<vmem>>, vector<1x16xf32>,
    %swap3A_29 = vector.shape_cast %swap3A_28 : vector<1x16xf32> to vector<16xf32>
    %swap3A_30 = vector.shape_cast %broadcast_in_dim3A_1 : vector<16xf32> to vector<1x16xf32>
    tpu.vector_store %arg8[%swap3A_26, %swap3A_27], %swap3A_30 {strides = array<i32>} : memref<16x128xf32, #tpu.memory_space<vmem>>, vector<1x16xf32>,
    %swap3A_31 = arith.constant 0 : i32
    %swap3A_32 = arith.index_cast %swap3A_31 : i32 to index
    %swap3A_33 = arith.constant 80 : index
    %swap3A_34 = tpu.vector_load %arg8[%swap3A_32, %swap3A_33] {strides = array<i32>} : memref<16x128xf32, #tpu.memory_space<vmem>>, vector<1x16xf32>,
    %swap3A_35 = vector.shape_cast %swap3A_34 : vector<1x16xf32> to vector<16xf32>
    %swap3A_36 = vector.shape_cast %broadcast_in_dim3A_1 : vector<16xf32> to vector<1x16xf32>
    tpu.vector_store %arg8[%swap3A_32, %swap3A_33], %swap3A_36 {strides = array<i32>} : memref<16x128xf32, #tpu.memory_space<vmem>>, vector<1x16xf32>,
    %swap3A_37 = arith.constant 0 : i32
    %swap3A_38 = arith.index_cast %swap3A_37 : i32 to index
    %swap3A_39 = arith.constant 96 : index
    %swap3A_40 = tpu.vector_load %arg8[%swap3A_38, %swap3A_39] {strides = array<i32>} : memref<16x128xf32, #tpu.memory_space<vmem>>, vector<1x16xf32>,
    %swap3A_41 = vector.shape_cast %swap3A_40 : vector<1x16xf32> to vector<16xf32>
    %swap3A_42 = vector.shape_cast %broadcast_in_dim3A_1 : vector<16xf32> to vector<1x16xf32>
    tpu.vector_store %arg8[%swap3A_38, %swap3A_39], %swap3A_42 {strides = array<i32>} : memref<16x128xf32, #tpu.memory_space<vmem>>, vector<1x16xf32>,
    %swap3A_43 = arith.constant 0 : i32
    %swap3A_44 = arith.index_cast %swap3A_43 : i32 to index
    %swap3A_45 = arith.constant 112 : index
    %swap3A_46 = tpu.vector_load %arg8[%swap3A_44, %swap3A_45] {strides = array<i32>} : memref<16x128xf32, #tpu.memory_space<vmem>>, vector<1x16xf32>,
    %swap3A_47 = vector.shape_cast %swap3A_46 : vector<1x16xf32> to vector<16xf32>
    %swap3A_48 = vector.shape_cast %broadcast_in_dim3A_1 : vector<16xf32> to vector<1x16xf32>
    tpu.vector_store %arg8[%swap3A_44, %swap3A_45], %swap3A_48 {strides = array<i32>} : memref<16x128xf32, #tpu.memory_space<vmem>>, vector<1x16xf32>,
    %swap3A_49 = arith.constant 1 : i32
    %swap3A_50 = arith.index_cast %swap3A_49 : i32 to index
    %swap3A_51 = arith.constant 0 : index
    %swap3A_52 = tpu.vector_load %arg8[%swap3A_50, %swap3A_51] {strides = array<i32>} : memref<16x128xf32, #tpu.memory_space<vmem>>, vector<1x16xf32>,
    %swap3A_53 = vector.shape_cast %swap3A_52 : vector<1x16xf32> to vector<16xf32>
    %swap3A_54 = vector.shape_cast %broadcast_in_dim3A_1 : vector<16xf32> to vector<1x16xf32>
    tpu.vector_store %arg8[%swap3A_50, %swap3A_51], %swap3A_54 {strides = array<i32>} : memref<16x128xf32, #tpu.memory_space<vmem>>, vector<1x16xf32>,
    %swap3A_55 = arith.constant 1 : i32
    %swap3A_56 = arith.index_cast %swap3A_55 : i32 to index
    %swap3A_57 = arith.constant 16 : index
    %swap3A_58 = tpu.vector_load %arg8[%swap3A_56, %swap3A_57] {strides = array<i32>} : memref<16x128xf32, #tpu.memory_space<vmem>>, vector<1x16xf32>,
    %swap3A_59 = vector.shape_cast %swap3A_58 : vector<1x16xf32> to vector<16xf32>
    %swap3A_60 = vector.shape_cast %broadcast_in_dim3A_1 : vector<16xf32> to vector<1x16xf32>
    tpu.vector_store %arg8[%swap3A_56, %swap3A_57], %swap3A_60 {strides = array<i32>} : memref<16x128xf32, #tpu.memory_space<vmem>>, vector<1x16xf32>,
    %swap3A_61 = arith.constant 1 : i32
    %swap3A_62 = arith.index_cast %swap3A_61 : i32 to index
    %swap3A_63 = arith.constant 32 : index
    %swap3A_64 = tpu.vector_load %arg8[%swap3A_62, %swap3A_63] {strides = array<i32>} : memref<16x128xf32, #tpu.memory_space<vmem>>, vector<1x16xf32>,
    %swap3A_65 = vector.shape_cast %swap3A_64 : vector<1x16xf32> to vector<16xf32>
    %swap3A_66 = vector.shape_cast %broadcast_in_dim3A_1 : vector<16xf32> to vector<1x16xf32>
    tpu.vector_store %arg8[%swap3A_62, %swap3A_63], %swap3A_66 {strides = array<i32>} : memref<16x128xf32, #tpu.memory_space<vmem>>, vector<1x16xf32>,
    %swap3A_67 = arith.constant 1 : i32
    %swap3A_68 = arith.index_cast %swap3A_67 : i32 to index
    %swap3A_69 = arith.constant 48 : index
    %swap3A_70 = tpu.vector_load %arg8[%swap3A_68, %swap3A_69] {strides = array<i32>} : memref<16x128xf32, #tpu.memory_space<vmem>>, vector<1x16xf32>,
    %swap3A_71 = vector.shape_cast %swap3A_70 : vector<1x16xf32> to vector<16xf32>
    %swap3A_72 = vector.shape_cast %broadcast_in_dim3A_1 : vector<16xf32> to vector<1x16xf32>
    tpu.vector_store %arg8[%swap3A_68, %swap3A_69], %swap3A_72 {strides = array<i32>} : memref<16x128xf32, #tpu.memory_space<vmem>>, vector<1x16xf32>,
    %swap3A_73 = arith.constant 1 : i32
    %swap3A_74 = arith.index_cast %swap3A_73 : i32 to index
    %swap3A_75 = arith.constant 64 : index
    %swap3A_76 = tpu.vector_load %arg8[%swap3A_74, %swap3A_75] {strides = array<i32>} : memref<16x128xf32, #tpu.memory_space<vmem>>, vector<1x16xf32>,
    %swap3A_77 = vector.shape_cast %swap3A_76 : vector<1x16xf32> to vector<16xf32>
    %swap3A_78 = vector.shape_cast %broadcast_in_dim3A_1 : vector<16xf32> to vector<1x16xf32>
    tpu.vector_store %arg8[%swap3A_74, %swap3A_75], %swap3A_78 {strides = array<i32>} : memref<16x128xf32, #tpu.memory_space<vmem>>, vector<1x16xf32>,
    %swap3A_79 = arith.constant 1 : i32
    %swap3A_80 = arith.index_cast %swap3A_79 : i32 to index
    %swap3A_81 = arith.constant 80 : index
    %swap3A_82 = tpu.vector_load %arg8[%swap3A_80, %swap3A_81] {strides = array<i32>} : memref<16x128xf32, #tpu.memory_space<vmem>>, vector<1x16xf32>,
    %swap3A_83 = vector.shape_cast %swap3A_82 : vector<1x16xf32> to vector<16xf32>
    %swap3A_84 = vector.shape_cast %broadcast_in_dim3A_1 : vector<16xf32> to vector<1x16xf32>
    tpu.vector_store %arg8[%swap3A_80, %swap3A_81], %swap3A_84 {strides = array<i32>} : memref<16x128xf32, #tpu.memory_space<vmem>>, vector<1x16xf32>,
    %swap3A_85 = arith.constant 1 : i32
    %swap3A_86 = arith.index_cast %swap3A_85 : i32 to index
    %swap3A_87 = arith.constant 96 : index
    %swap3A_88 = tpu.vector_load %arg8[%swap3A_86, %swap3A_87] {strides = array<i32>} : memref<16x128xf32, #tpu.memory_space<vmem>>, vector<1x16xf32>,
    %swap3A_89 = vector.shape_cast %swap3A_88 : vector<1x16xf32> to vector<16xf32>
    %swap3A_90 = vector.shape_cast %broadcast_in_dim3A_1 : vector<16xf32> to vector<1x16xf32>
    tpu.vector_store %arg8[%swap3A_86, %swap3A_87], %swap3A_90 {strides = array<i32>} : memref<16x128xf32, #tpu.memory_space<vmem>>, vector<1x16xf32>,
    %swap3A_91 = arith.constant 1 : i32
    %swap3A_92 = arith.index_cast %swap3A_91 : i32 to index
    %swap3A_93 = arith.constant 112 : index
    %swap3A_94 = tpu.vector_load %arg8[%swap3A_92, %swap3A_93] {strides = array<i32>} : memref<16x128xf32, #tpu.memory_space<vmem>>, vector<1x16xf32>,
    %swap3A_95 = vector.shape_cast %swap3A_94 : vector<1x16xf32> to vector<16xf32>
    %swap3A_96 = vector.shape_cast %broadcast_in_dim3A_1 : vector<16xf32> to vector<1x16xf32>
    tpu.vector_store %arg8[%swap3A_92, %swap3A_93], %swap3A_96 {strides = array<i32>} : memref<16x128xf32, #tpu.memory_space<vmem>>, vector<1x16xf32>,
    %swap3A_97 = arith.constant 2 : i32
    %swap3A_98 = arith.index_cast %swap3A_97 : i32 to index
    %swap3A_99 = arith.constant 0 : index
    %swap3A_100 = tpu.vector_load %arg8[%swap3A_98, %swap3A_99] {strides = array<i32>} : memref<16x128xf32, #tpu.memory_space<vmem>>, vector<1x16xf32>,
    %swap3A_101 = vector.shape_cast %swap3A_100 : vector<1x16xf32> to vector<16xf32>
    %swap3A_102 = vector.shape_cast %broadcast_in_dim3A_1 : vector<16xf32> to vector<1x16xf32>
    tpu.vector_store %arg8[%swap3A_98, %swap3A_99], %swap3A_102 {strides = array<i32>} : memref<16x128xf32, #tpu.memory_space<vmem>>, vector<1x16xf32>,
    %swap3A_103 = arith.constant 2 : i32
    %swap3A_104 = arith.index_cast %swap3A_103 : i32 to index
    %swap3A_105 = arith.constant 16 : index
    %swap3A_106 = tpu.vector_load %arg8[%swap3A_104, %swap3A_105] {strides = array<i32>} : memref<16x128xf32, #tpu.memory_space<vmem>>, vector<1x16xf32>,
    %swap3A_107 = vector.shape_cast %swap3A_106 : vector<1x16xf32> to vector<16xf32>
    %swap3A_108 = vector.shape_cast %broadcast_in_dim3A_1 : vector<16xf32> to vector<1x16xf32>
    tpu.vector_store %arg8[%swap3A_104, %swap3A_105], %swap3A_108 {strides = array<i32>} : memref<16x128xf32, #tpu.memory_space<vmem>>, vector<1x16xf32>,
    %swap3A_109 = arith.constant 2 : i32
    %swap3A_110 = arith.index_cast %swap3A_109 : i32 to index
    %swap3A_111 = arith.constant 32 : index
    %swap3A_112 = tpu.vector_load %arg8[%swap3A_110, %swap3A_111] {strides = array<i32>} : memref<16x128xf32, #tpu.memory_space<vmem>>, vector<1x16xf32>,
    %swap3A_113 = vector.shape_cast %swap3A_112 : vector<1x16xf32> to vector<16xf32>
    %swap3A_114 = vector.shape_cast %broadcast_in_dim3A_1 : vector<16xf32> to vector<1x16xf32>
    tpu.vector_store %arg8[%swap3A_110, %swap3A_111], %swap3A_114 {strides = array<i32>} : memref<16x128xf32, #tpu.memory_space<vmem>>, vector<1x16xf32>,
    %swap3A_115 = arith.constant 2 : i32
    %swap3A_116 = arith.index_cast %swap3A_115 : i32 to index
    %swap3A_117 = arith.constant 48 : index
    %swap3A_118 = tpu.vector_load %arg8[%swap3A_116, %swap3A_117] {strides = array<i32>} : memref<16x128xf32, #tpu.memory_space<vmem>>, vector<1x16xf32>,
    %swap3A_119 = vector.shape_cast %swap3A_118 : vector<1x16xf32> to vector<16xf32>
    %swap3A_120 = vector.shape_cast %broadcast_in_dim3A_1 : vector<16xf32> to vector<1x16xf32>
    tpu.vector_store %arg8[%swap3A_116, %swap3A_117], %swap3A_120 {strides = array<i32>} : memref<16x128xf32, #tpu.memory_space<vmem>>, vector<1x16xf32>,
    %swap3A_121 = arith.constant 2 : i32
    %swap3A_122 = arith.index_cast %swap3A_121 : i32 to index
    %swap3A_123 = arith.constant 64 : index
    %swap3A_124 = tpu.vector_load %arg8[%swap3A_122, %swap3A_123] {strides = array<i32>} : memref<16x128xf32, #tpu.memory_space<vmem>>, vector<1x16xf32>,
    %swap3A_125 = vector.shape_cast %swap3A_124 : vector<1x16xf32> to vector<16xf32>
    %swap3A_126 = vector.shape_cast %broadcast_in_dim3A_1 : vector<16xf32> to vector<1x16xf32>
    tpu.vector_store %arg8[%swap3A_122, %swap3A_123], %swap3A_126 {strides = array<i32>} : memref<16x128xf32, #tpu.memory_space<vmem>>, vector<1x16xf32>,
    %swap3A_127 = arith.constant 2 : i32
    %swap3A_128 = arith.index_cast %swap3A_127 : i32 to index
    %swap3A_129 = arith.constant 80 : index
    %swap3A_130 = tpu.vector_load %arg8[%swap3A_128, %swap3A_129] {strides = array<i32>} : memref<16x128xf32, #tpu.memory_space<vmem>>, vector<1x16xf32>,
    %swap3A_131 = vector.shape_cast %swap3A_130 : vector<1x16xf32> to vector<16xf32>
    %swap3A_132 = vector.shape_cast %broadcast_in_dim3A_1 : vector<16xf32> to vector<1x16xf32>
    tpu.vector_store %arg8[%swap3A_128, %swap3A_129], %swap3A_132 {strides = array<i32>} : memref<16x128xf32, #tpu.memory_space<vmem>>, vector<1x16xf32>,
    %swap3A_133 = arith.constant 2 : i32
    %swap3A_134 = arith.index_cast %swap3A_133 : i32 to index
    %swap3A_135 = arith.constant 96 : index
    %swap3A_136 = tpu.vector_load %arg8[%swap3A_134, %swap3A_135] {strides = array<i32>} : memref<16x128xf32, #tpu.memory_space<vmem>>, vector<1x16xf32>,
    %swap3A_137 = vector.shape_cast %swap3A_136 : vector<1x16xf32> to vector<16xf32>
    %swap3A_138 = vector.shape_cast %broadcast_in_dim3A_1 : vector<16xf32> to vector<1x16xf32>
    tpu.vector_store %arg8[%swap3A_134, %swap3A_135], %swap3A_138 {strides = array<i32>} : memref<16x128xf32, #tpu.memory_space<vmem>>, vector<1x16xf32>,
    %swap3A_139 = arith.constant 2 : i32
    %swap3A_140 = arith.index_cast %swap3A_139 : i32 to index
    %swap3A_141 = arith.constant 112 : index
    %swap3A_142 = tpu.vector_load %arg8[%swap3A_140, %swap3A_141] {strides = array<i32>} : memref<16x128xf32, #tpu.memory_space<vmem>>, vector<1x16xf32>,
    %swap3A_143 = vector.shape_cast %swap3A_142 : vector<1x16xf32> to vector<16xf32>
    %swap3A_144 = vector.shape_cast %broadcast_in_dim3A_1 : vector<16xf32> to vector<1x16xf32>
    tpu.vector_store %arg8[%swap3A_140, %swap3A_141], %swap3A_144 {strides = array<i32>} : memref<16x128xf32, #tpu.memory_space<vmem>>, vector<1x16xf32>,
    %swap3A_145 = arith.constant 3 : i32
    %swap3A_146 = arith.index_cast %swap3A_145 : i32 to index
    %swap3A_147 = arith.constant 0 : index
    %swap3A_148 = tpu.vector_load %arg8[%swap3A_146, %swap3A_147] {strides = array<i32>} : memref<16x128xf32, #tpu.memory_space<vmem>>, vector<1x16xf32>,
    %swap3A_149 = vector.shape_cast %swap3A_148 : vector<1x16xf32> to vector<16xf32>
    %swap3A_150 = vector.shape_cast %broadcast_in_dim3A_1 : vector<16xf32> to vector<1x16xf32>
    tpu.vector_store %arg8[%swap3A_146, %swap3A_147], %swap3A_150 {strides = array<i32>} : memref<16x128xf32, #tpu.memory_space<vmem>>, vector<1x16xf32>,
    %swap3A_151 = arith.constant 3 : i32
    %swap3A_152 = arith.index_cast %swap3A_151 : i32 to index
    %swap3A_153 = arith.constant 16 : index
    %swap3A_154 = tpu.vector_load %arg8[%swap3A_152, %swap3A_153] {strides = array<i32>} : memref<16x128xf32, #tpu.memory_space<vmem>>, vector<1x16xf32>,
    %swap3A_155 = vector.shape_cast %swap3A_154 : vector<1x16xf32> to vector<16xf32>
    %swap3A_156 = vector.shape_cast %broadcast_in_dim3A_1 : vector<16xf32> to vector<1x16xf32>
    tpu.vector_store %arg8[%swap3A_152, %swap3A_153], %swap3A_156 {strides = array<i32>} : memref<16x128xf32, #tpu.memory_space<vmem>>, vector<1x16xf32>,
    %swap3A_157 = arith.constant 3 : i32
    %swap3A_158 = arith.index_cast %swap3A_157 : i32 to index
    %swap3A_159 = arith.constant 32 : index
    %swap3A_160 = tpu.vector_load %arg8[%swap3A_158, %swap3A_159] {strides = array<i32>} : memref<16x128xf32, #tpu.memory_space<vmem>>, vector<1x16xf32>,
    %swap3A_161 = vector.shape_cast %swap3A_160 : vector<1x16xf32> to vector<16xf32>
    %swap3A_162 = vector.shape_cast %broadcast_in_dim3A_1 : vector<16xf32> to vector<1x16xf32>
    tpu.vector_store %arg8[%swap3A_158, %swap3A_159], %swap3A_162 {strides = array<i32>} : memref<16x128xf32, #tpu.memory_space<vmem>>, vector<1x16xf32>,
    %swap3A_163 = arith.constant 3 : i32
    %swap3A_164 = arith.index_cast %swap3A_163 : i32 to index
    %swap3A_165 = arith.constant 48 : index
    %swap3A_166 = tpu.vector_load %arg8[%swap3A_164, %swap3A_165] {strides = array<i32>} : memref<16x128xf32, #tpu.memory_space<vmem>>, vector<1x16xf32>,
    %swap3A_167 = vector.shape_cast %swap3A_166 : vector<1x16xf32> to vector<16xf32>
    %swap3A_168 = vector.shape_cast %broadcast_in_dim3A_1 : vector<16xf32> to vector<1x16xf32>
    tpu.vector_store %arg8[%swap3A_164, %swap3A_165], %swap3A_168 {strides = array<i32>} : memref<16x128xf32, #tpu.memory_space<vmem>>, vector<1x16xf32>,
    %swap3A_169 = arith.constant 3 : i32
    %swap3A_170 = arith.index_cast %swap3A_169 : i32 to index
    %swap3A_171 = arith.constant 64 : index
    %swap3A_172 = tpu.vector_load %arg8[%swap3A_170, %swap3A_171] {strides = array<i32>} : memref<16x128xf32, #tpu.memory_space<vmem>>, vector<1x16xf32>,
    %swap3A_173 = vector.shape_cast %swap3A_172 : vector<1x16xf32> to vector<16xf32>
    %swap3A_174 = vector.shape_cast %broadcast_in_dim3A_1 : vector<16xf32> to vector<1x16xf32>
    tpu.vector_store %arg8[%swap3A_170, %swap3A_171], %swap3A_174 {strides = array<i32>} : memref<16x128xf32, #tpu.memory_space<vmem>>, vector<1x16xf32>,
    %swap3A_175 = arith.constant 3 : i32
    %swap3A_176 = arith.index_cast %swap3A_175 : i32 to index
    %swap3A_177 = arith.constant 80 : index
    %swap3A_178 = tpu.vector_load %arg8[%swap3A_176, %swap3A_177] {strides = array<i32>} : memref<16x128xf32, #tpu.memory_space<vmem>>, vector<1x16xf32>,
    %swap3A_179 = vector.shape_cast %swap3A_178 : vector<1x16xf32> to vector<16xf32>
    %swap3A_180 = vector.shape_cast %broadcast_in_dim3A_1 : vector<16xf32> to vector<1x16xf32>
    tpu.vector_store %arg8[%swap3A_176, %swap3A_177], %swap3A_180 {strides = array<i32>} : memref<16x128xf32, #tpu.memory_space<vmem>>, vector<1x16xf32>,
    %swap3A_181 = arith.constant 3 : i32
    %swap3A_182 = arith.index_cast %swap3A_181 : i32 to index
    %swap3A_183 = arith.constant 96 : index
    %swap3A_184 = tpu.vector_load %arg8[%swap3A_182, %swap3A_183] {strides = array<i32>} : memref<16x128xf32, #tpu.memory_space<vmem>>, vector<1x16xf32>,
    %swap3A_185 = vector.shape_cast %swap3A_184 : vector<1x16xf32> to vector<16xf32>
    %swap3A_186 = vector.shape_cast %broadcast_in_dim3A_1 : vector<16xf32> to vector<1x16xf32>
    tpu.vector_store %arg8[%swap3A_182, %swap3A_183], %swap3A_186 {strides = array<i32>} : memref<16x128xf32, #tpu.memory_space<vmem>>, vector<1x16xf32>,
    %swap3A_187 = arith.constant 3 : i32
    %swap3A_188 = arith.index_cast %swap3A_187 : i32 to index
    %swap3A_189 = arith.constant 112 : index
    %swap3A_190 = tpu.vector_load %arg8[%swap3A_188, %swap3A_189] {strides = array<i32>} : memref<16x128xf32, #tpu.memory_space<vmem>>, vector<1x16xf32>,
    %swap3A_191 = vector.shape_cast %swap3A_190 : vector<1x16xf32> to vector<16xf32>
    %swap3A_192 = vector.shape_cast %broadcast_in_dim3A_1 : vector<16xf32> to vector<1x16xf32>
    tpu.vector_store %arg8[%swap3A_188, %swap3A_189], %swap3A_192 {strides = array<i32>} : memref<16x128xf32, #tpu.memory_space<vmem>>, vector<1x16xf32>,
    %swap3A_193 = arith.constant 4 : i32
    %swap3A_194 = arith.index_cast %swap3A_193 : i32 to index
    %swap3A_195 = arith.constant 0 : index
    %swap3A_196 = tpu.vector_load %arg8[%swap3A_194, %swap3A_195] {strides = array<i32>} : memref<16x128xf32, #tpu.memory_space<vmem>>, vector<1x16xf32>,
    %swap3A_197 = vector.shape_cast %swap3A_196 : vector<1x16xf32> to vector<16xf32>
    %swap3A_198 = vector.shape_cast %broadcast_in_dim3A_1 : vector<16xf32> to vector<1x16xf32>
    tpu.vector_store %arg8[%swap3A_194, %swap3A_195], %swap3A_198 {strides = array<i32>} : memref<16x128xf32, #tpu.memory_space<vmem>>, vector<1x16xf32>,
    %swap3A_199 = arith.constant 4 : i32
    %swap3A_200 = arith.index_cast %swap3A_199 : i32 to index
    %swap3A_201 = arith.constant 16 : index
    %swap3A_202 = tpu.vector_load %arg8[%swap3A_200, %swap3A_201] {strides = array<i32>} : memref<16x128xf32, #tpu.memory_space<vmem>>, vector<1x16xf32>,
    %swap3A_203 = vector.shape_cast %swap3A_202 : vector<1x16xf32> to vector<16xf32>
    %swap3A_204 = vector.shape_cast %broadcast_in_dim3A_1 : vector<16xf32> to vector<1x16xf32>
    tpu.vector_store %arg8[%swap3A_200, %swap3A_201], %swap3A_204 {strides = array<i32>} : memref<16x128xf32, #tpu.memory_space<vmem>>, vector<1x16xf32>,
    %swap3A_205 = arith.constant 4 : i32
    %swap3A_206 = arith.index_cast %swap3A_205 : i32 to index
    %swap3A_207 = arith.constant 32 : index
    %swap3A_208 = tpu.vector_load %arg8[%swap3A_206, %swap3A_207] {strides = array<i32>} : memref<16x128xf32, #tpu.memory_space<vmem>>, vector<1x16xf32>,
    %swap3A_209 = vector.shape_cast %swap3A_208 : vector<1x16xf32> to vector<16xf32>
    %swap3A_210 = vector.shape_cast %broadcast_in_dim3A_1 : vector<16xf32> to vector<1x16xf32>
    tpu.vector_store %arg8[%swap3A_206, %swap3A_207], %swap3A_210 {strides = array<i32>} : memref<16x128xf32, #tpu.memory_space<vmem>>, vector<1x16xf32>,
    %swap3A_211 = arith.constant 4 : i32
    %swap3A_212 = arith.index_cast %swap3A_211 : i32 to index
    %swap3A_213 = arith.constant 48 : index
    %swap3A_214 = tpu.vector_load %arg8[%swap3A_212, %swap3A_213] {strides = array<i32>} : memref<16x128xf32, #tpu.memory_space<vmem>>, vector<1x16xf32>,
    %swap3A_215 = vector.shape_cast %swap3A_214 : vector<1x16xf32> to vector<16xf32>
    %swap3A_216 = vector.shape_cast %broadcast_in_dim3A_1 : vector<16xf32> to vector<1x16xf32>
    tpu.vector_store %arg8[%swap3A_212, %swap3A_213], %swap3A_216 {strides = array<i32>} : memref<16x128xf32, #tpu.memory_space<vmem>>, vector<1x16xf32>,
    %swap3A_217 = arith.constant 4 : i32
    %swap3A_218 = arith.index_cast %swap3A_217 : i32 to index
    %swap3A_219 = arith.constant 64 : index
    %swap3A_220 = tpu.vector_load %arg8[%swap3A_218, %swap3A_219] {strides = array<i32>} : memref<16x128xf32, #tpu.memory_space<vmem>>, vector<1x16xf32>,
    %swap3A_221 = vector.shape_cast %swap3A_220 : vector<1x16xf32> to vector<16xf32>
    %swap3A_222 = vector.shape_cast %broadcast_in_dim3A_1 : vector<16xf32> to vector<1x16xf32>
    tpu.vector_store %arg8[%swap3A_218, %swap3A_219], %swap3A_222 {strides = array<i32>} : memref<16x128xf32, #tpu.memory_space<vmem>>, vector<1x16xf32>,
    %swap3A_223 = arith.constant 4 : i32
    %swap3A_224 = arith.index_cast %swap3A_223 : i32 to index
    %swap3A_225 = arith.constant 80 : index
    %swap3A_226 = tpu.vector_load %arg8[%swap3A_224, %swap3A_225] {strides = array<i32>} : memref<16x128xf32, #tpu.memory_space<vmem>>, vector<1x16xf32>,
    %swap3A_227 = vector.shape_cast %swap3A_226 : vector<1x16xf32> to vector<16xf32>
    %swap3A_228 = vector.shape_cast %broadcast_in_dim3A_1 : vector<16xf32> to vector<1x16xf32>
    tpu.vector_store %arg8[%swap3A_224, %swap3A_225], %swap3A_228 {strides = array<i32>} : memref<16x128xf32, #tpu.memory_space<vmem>>, vector<1x16xf32>,
    %swap3A_229 = arith.constant 4 : i32
    %swap3A_230 = arith.index_cast %swap3A_229 : i32 to index
    %swap3A_231 = arith.constant 96 : index
    %swap3A_232 = tpu.vector_load %arg8[%swap3A_230, %swap3A_231] {strides = array<i32>} : memref<16x128xf32, #tpu.memory_space<vmem>>, vector<1x16xf32>,
    %swap3A_233 = vector.shape_cast %swap3A_232 : vector<1x16xf32> to vector<16xf32>
    %swap3A_234 = vector.shape_cast %broadcast_in_dim3A_1 : vector<16xf32> to vector<1x16xf32>
    tpu.vector_store %arg8[%swap3A_230, %swap3A_231], %swap3A_234 {strides = array<i32>} : memref<16x128xf32, #tpu.memory_space<vmem>>, vector<1x16xf32>,
    %swap3A_235 = arith.constant 4 : i32
    %swap3A_236 = arith.index_cast %swap3A_235 : i32 to index
    %swap3A_237 = arith.constant 112 : index
    %swap3A_238 = tpu.vector_load %arg8[%swap3A_236, %swap3A_237] {strides = array<i32>} : memref<16x128xf32, #tpu.memory_space<vmem>>, vector<1x16xf32>,
    %swap3A_239 = vector.shape_cast %swap3A_238 : vector<1x16xf32> to vector<16xf32>
    %swap3A_240 = vector.shape_cast %broadcast_in_dim3A_1 : vector<16xf32> to vector<1x16xf32>
    tpu.vector_store %arg8[%swap3A_236, %swap3A_237], %swap3A_240 {strides = array<i32>} : memref<16x128xf32, #tpu.memory_space<vmem>>, vector<1x16xf32>,
    %swap3A_241 = arith.constant 5 : i32
    %swap3A_242 = arith.index_cast %swap3A_241 : i32 to index
    %swap3A_243 = arith.constant 0 : index
    %swap3A_244 = tpu.vector_load %arg8[%swap3A_242, %swap3A_243] {strides = array<i32>} : memref<16x128xf32, #tpu.memory_space<vmem>>, vector<1x16xf32>,
    %swap3A_245 = vector.shape_cast %swap3A_244 : vector<1x16xf32> to vector<16xf32>
    %swap3A_246 = vector.shape_cast %broadcast_in_dim3A_1 : vector<16xf32> to vector<1x16xf32>
    tpu.vector_store %arg8[%swap3A_242, %swap3A_243], %swap3A_246 {strides = array<i32>} : memref<16x128xf32, #tpu.memory_space<vmem>>, vector<1x16xf32>,
    %swap3A_247 = arith.constant 5 : i32
    %swap3A_248 = arith.index_cast %swap3A_247 : i32 to index
    %swap3A_249 = arith.constant 16 : index
    %swap3A_250 = tpu.vector_load %arg8[%swap3A_248, %swap3A_249] {strides = array<i32>} : memref<16x128xf32, #tpu.memory_space<vmem>>, vector<1x16xf32>,
    %swap3A_251 = vector.shape_cast %swap3A_250 : vector<1x16xf32> to vector<16xf32>
    %swap3A_252 = vector.shape_cast %broadcast_in_dim3A_1 : vector<16xf32> to vector<1x16xf32>
    tpu.vector_store %arg8[%swap3A_248, %swap3A_249], %swap3A_252 {strides = array<i32>} : memref<16x128xf32, #tpu.memory_space<vmem>>, vector<1x16xf32>,
    %swap3A_253 = arith.constant 5 : i32
    %swap3A_254 = arith.index_cast %swap3A_253 : i32 to index
    %swap3A_255 = arith.constant 32 : index
    %swap3A_256 = tpu.vector_load %arg8[%swap3A_254, %swap3A_255] {strides = array<i32>} : memref<16x128xf32, #tpu.memory_space<vmem>>, vector<1x16xf32>,
    %swap3A_257 = vector.shape_cast %swap3A_256 : vector<1x16xf32> to vector<16xf32>
    %swap3A_258 = vector.shape_cast %broadcast_in_dim3A_1 : vector<16xf32> to vector<1x16xf32>
    tpu.vector_store %arg8[%swap3A_254, %swap3A_255], %swap3A_258 {strides = array<i32>} : memref<16x128xf32, #tpu.memory_space<vmem>>, vector<1x16xf32>,
    %swap3A_259 = arith.constant 5 : i32
    %swap3A_260 = arith.index_cast %swap3A_259 : i32 to index
    %swap3A_261 = arith.constant 48 : index
    %swap3A_262 = tpu.vector_load %arg8[%swap3A_260, %swap3A_261] {strides = array<i32>} : memref<16x128xf32, #tpu.memory_space<vmem>>, vector<1x16xf32>,
    %swap3A_263 = vector.shape_cast %swap3A_262 : vector<1x16xf32> to vector<16xf32>
    %swap3A_264 = vector.shape_cast %broadcast_in_dim3A_1 : vector<16xf32> to vector<1x16xf32>
    tpu.vector_store %arg8[%swap3A_260, %swap3A_261], %swap3A_264 {strides = array<i32>} : memref<16x128xf32, #tpu.memory_space<vmem>>, vector<1x16xf32>,
    %swap3A_265 = arith.constant 5 : i32
    %swap3A_266 = arith.index_cast %swap3A_265 : i32 to index
    %swap3A_267 = arith.constant 64 : index
    %swap3A_268 = tpu.vector_load %arg8[%swap3A_266, %swap3A_267] {strides = array<i32>} : memref<16x128xf32, #tpu.memory_space<vmem>>, vector<1x16xf32>,
    %swap3A_269 = vector.shape_cast %swap3A_268 : vector<1x16xf32> to vector<16xf32>
    %swap3A_270 = vector.shape_cast %broadcast_in_dim3A_1 : vector<16xf32> to vector<1x16xf32>
    tpu.vector_store %arg8[%swap3A_266, %swap3A_267], %swap3A_270 {strides = array<i32>} : memref<16x128xf32, #tpu.memory_space<vmem>>, vector<1x16xf32>,
    %swap3A_271 = arith.constant 5 : i32
    %swap3A_272 = arith.index_cast %swap3A_271 : i32 to index
    %swap3A_273 = arith.constant 80 : index
    %swap3A_274 = tpu.vector_load %arg8[%swap3A_272, %swap3A_273] {strides = array<i32>} : memref<16x128xf32, #tpu.memory_space<vmem>>, vector<1x16xf32>,
    %swap3A_275 = vector.shape_cast %swap3A_274 : vector<1x16xf32> to vector<16xf32>
    %swap3A_276 = vector.shape_cast %broadcast_in_dim3A_1 : vector<16xf32> to vector<1x16xf32>
    tpu.vector_store %arg8[%swap3A_272, %swap3A_273], %swap3A_276 {strides = array<i32>} : memref<16x128xf32, #tpu.memory_space<vmem>>, vector<1x16xf32>,
    %swap3A_277 = arith.constant 5 : i32
    %swap3A_278 = arith.index_cast %swap3A_277 : i32 to index
    %swap3A_279 = arith.constant 96 : index
    %swap3A_280 = tpu.vector_load %arg8[%swap3A_278, %swap3A_279] {strides = array<i32>} : memref<16x128xf32, #tpu.memory_space<vmem>>, vector<1x16xf32>,
    %swap3A_281 = vector.shape_cast %swap3A_280 : vector<1x16xf32> to vector<16xf32>
    %swap3A_282 = vector.shape_cast %broadcast_in_dim3A_1 : vector<16xf32> to vector<1x16xf32>
    tpu.vector_store %arg8[%swap3A_278, %swap3A_279], %swap3A_282 {strides = array<i32>} : memref<16x128xf32, #tpu.memory_space<vmem>>, vector<1x16xf32>,
    %swap3A_283 = arith.constant 5 : i32
    %swap3A_284 = arith.index_cast %swap3A_283 : i32 to index
    %swap3A_285 = arith.constant 112 : index
    %swap3A_286 = tpu.vector_load %arg8[%swap3A_284, %swap3A_285] {strides = array<i32>} : memref<16x128xf32, #tpu.memory_space<vmem>>, vector<1x16xf32>,
    %swap3A_287 = vector.shape_cast %swap3A_286 : vector<1x16xf32> to vector<16xf32>
    %swap3A_288 = vector.shape_cast %broadcast_in_dim3A_1 : vector<16xf32> to vector<1x16xf32>
    tpu.vector_store %arg8[%swap3A_284, %swap3A_285], %swap3A_288 {strides = array<i32>} : memref<16x128xf32, #tpu.memory_space<vmem>>, vector<1x16xf32>,
    %swap3A_289 = arith.constant 6 : i32
    %swap3A_290 = arith.index_cast %swap3A_289 : i32 to index
    %swap3A_291 = arith.constant 0 : index
    %swap3A_292 = tpu.vector_load %arg8[%swap3A_290, %swap3A_291] {strides = array<i32>} : memref<16x128xf32, #tpu.memory_space<vmem>>, vector<1x16xf32>,
    %swap3A_293 = vector.shape_cast %swap3A_292 : vector<1x16xf32> to vector<16xf32>
    %swap3A_294 = vector.shape_cast %broadcast_in_dim3A_1 : vector<16xf32> to vector<1x16xf32>
    tpu.vector_store %arg8[%swap3A_290, %swap3A_291], %swap3A_294 {strides = array<i32>} : memref<16x128xf32, #tpu.memory_space<vmem>>, vector<1x16xf32>,
    %swap3A_295 = arith.constant 6 : i32
    %swap3A_296 = arith.index_cast %swap3A_295 : i32 to index
    %swap3A_297 = arith.constant 16 : index
    %swap3A_298 = tpu.vector_load %arg8[%swap3A_296, %swap3A_297] {strides = array<i32>} : memref<16x128xf32, #tpu.memory_space<vmem>>, vector<1x16xf32>,
    %swap3A_299 = vector.shape_cast %swap3A_298 : vector<1x16xf32> to vector<16xf32>
    %swap3A_300 = vector.shape_cast %broadcast_in_dim3A_1 : vector<16xf32> to vector<1x16xf32>
    tpu.vector_store %arg8[%swap3A_296, %swap3A_297], %swap3A_300 {strides = array<i32>} : memref<16x128xf32, #tpu.memory_space<vmem>>, vector<1x16xf32>,
    %swap3A_301 = arith.constant 6 : i32
    %swap3A_302 = arith.index_cast %swap3A_301 : i32 to index
    %swap3A_303 = arith.constant 32 : index
    %swap3A_304 = tpu.vector_load %arg8[%swap3A_302, %swap3A_303] {strides = array<i32>} : memref<16x128xf32, #tpu.memory_space<vmem>>, vector<1x16xf32>,
    %swap3A_305 = vector.shape_cast %swap3A_304 : vector<1x16xf32> to vector<16xf32>
    %swap3A_306 = vector.shape_cast %broadcast_in_dim3A_1 : vector<16xf32> to vector<1x16xf32>
    tpu.vector_store %arg8[%swap3A_302, %swap3A_303], %swap3A_306 {strides = array<i32>} : memref<16x128xf32, #tpu.memory_space<vmem>>, vector<1x16xf32>,
    %swap3A_307 = arith.constant 6 : i32
    %swap3A_308 = arith.index_cast %swap3A_307 : i32 to index
    %swap3A_309 = arith.constant 48 : index
    %swap3A_310 = tpu.vector_load %arg8[%swap3A_308, %swap3A_309] {strides = array<i32>} : memref<16x128xf32, #tpu.memory_space<vmem>>, vector<1x16xf32>,
    %swap3A_311 = vector.shape_cast %swap3A_310 : vector<1x16xf32> to vector<16xf32>
    %swap3A_312 = vector.shape_cast %broadcast_in_dim3A_1 : vector<16xf32> to vector<1x16xf32>
    tpu.vector_store %arg8[%swap3A_308, %swap3A_309], %swap3A_312 {strides = array<i32>} : memref<16x128xf32, #tpu.memory_space<vmem>>, vector<1x16xf32>,
    %swap3A_313 = arith.constant 6 : i32
    %swap3A_314 = arith.index_cast %swap3A_313 : i32 to index
    %swap3A_315 = arith.constant 64 : index
    %swap3A_316 = tpu.vector_load %arg8[%swap3A_314, %swap3A_315] {strides = array<i32>} : memref<16x128xf32, #tpu.memory_space<vmem>>, vector<1x16xf32>,
    %swap3A_317 = vector.shape_cast %swap3A_316 : vector<1x16xf32> to vector<16xf32>
    %swap3A_318 = vector.shape_cast %broadcast_in_dim3A_1 : vector<16xf32> to vector<1x16xf32>
    tpu.vector_store %arg8[%swap3A_314, %swap3A_315], %swap3A_318 {strides = array<i32>} : memref<16x128xf32, #tpu.memory_space<vmem>>, vector<1x16xf32>,
    %swap3A_319 = arith.constant 6 : i32
    %swap3A_320 = arith.index_cast %swap3A_319 : i32 to index
    %swap3A_321 = arith.constant 80 : index
    %swap3A_322 = tpu.vector_load %arg8[%swap3A_320, %swap3A_321] {strides = array<i32>} : memref<16x128xf32, #tpu.memory_space<vmem>>, vector<1x16xf32>,
    %swap3A_323 = vector.shape_cast %swap3A_322 : vector<1x16xf32> to vector<16xf32>
    %swap3A_324 = vector.shape_cast %broadcast_in_dim3A_1 : vector<16xf32> to vector<1x16xf32>
    tpu.vector_store %arg8[%swap3A_320, %swap3A_321], %swap3A_324 {strides = array<i32>} : memref<16x128xf32, #tpu.memory_space<vmem>>, vector<1x16xf32>,
    %swap3A_325 = arith.constant 6 : i32
    %swap3A_326 = arith.index_cast %swap3A_325 : i32 to index
    %swap3A_327 = arith.constant 96 : index
    %swap3A_328 = tpu.vector_load %arg8[%swap3A_326, %swap3A_327] {strides = array<i32>} : memref<16x128xf32, #tpu.memory_space<vmem>>, vector<1x16xf32>,
    %swap3A_329 = vector.shape_cast %swap3A_328 : vector<1x16xf32> to vector<16xf32>
    %swap3A_330 = vector.shape_cast %broadcast_in_dim3A_1 : vector<16xf32> to vector<1x16xf32>
    tpu.vector_store %arg8[%swap3A_326, %swap3A_327], %swap3A_330 {strides = array<i32>} : memref<16x128xf32, #tpu.memory_space<vmem>>, vector<1x16xf32>,
    %swap3A_331 = arith.constant 6 : i32
    %swap3A_332 = arith.index_cast %swap3A_331 : i32 to index
    %swap3A_333 = arith.constant 112 : index
    %swap3A_334 = tpu.vector_load %arg8[%swap3A_332, %swap3A_333] {strides = array<i32>} : memref<16x128xf32, #tpu.memory_space<vmem>>, vector<1x16xf32>,
    %swap3A_335 = vector.shape_cast %swap3A_334 : vector<1x16xf32> to vector<16xf32>
    %swap3A_336 = vector.shape_cast %broadcast_in_dim3A_1 : vector<16xf32> to vector<1x16xf32>
    tpu.vector_store %arg8[%swap3A_332, %swap3A_333], %swap3A_336 {strides = array<i32>} : memref<16x128xf32, #tpu.memory_space<vmem>>, vector<1x16xf32>,
    %swap3A_337 = arith.constant 7 : i32
    %swap3A_338 = arith.index_cast %swap3A_337 : i32 to index
    %swap3A_339 = arith.constant 0 : index
    %swap3A_340 = tpu.vector_load %arg8[%swap3A_338, %swap3A_339] {strides = array<i32>} : memref<16x128xf32, #tpu.memory_space<vmem>>, vector<1x16xf32>,
    %swap3A_341 = vector.shape_cast %swap3A_340 : vector<1x16xf32> to vector<16xf32>
    %swap3A_342 = vector.shape_cast %broadcast_in_dim3A_1 : vector<16xf32> to vector<1x16xf32>
    tpu.vector_store %arg8[%swap3A_338, %swap3A_339], %swap3A_342 {strides = array<i32>} : memref<16x128xf32, #tpu.memory_space<vmem>>, vector<1x16xf32>,
    %swap3A_343 = arith.constant 7 : i32
    %swap3A_344 = arith.index_cast %swap3A_343 : i32 to index
    %swap3A_345 = arith.constant 16 : index
    %swap3A_346 = tpu.vector_load %arg8[%swap3A_344, %swap3A_345] {strides = array<i32>} : memref<16x128xf32, #tpu.memory_space<vmem>>, vector<1x16xf32>,
    %swap3A_347 = vector.shape_cast %swap3A_346 : vector<1x16xf32> to vector<16xf32>
    %swap3A_348 = vector.shape_cast %broadcast_in_dim3A_1 : vector<16xf32> to vector<1x16xf32>
    tpu.vector_store %arg8[%swap3A_344, %swap3A_345], %swap3A_348 {strides = array<i32>} : memref<16x128xf32, #tpu.memory_space<vmem>>, vector<1x16xf32>,
    %swap3A_349 = arith.constant 7 : i32
    %swap3A_350 = arith.index_cast %swap3A_349 : i32 to index
    %swap3A_351 = arith.constant 32 : index
    %swap3A_352 = tpu.vector_load %arg8[%swap3A_350, %swap3A_351] {strides = array<i32>} : memref<16x128xf32, #tpu.memory_space<vmem>>, vector<1x16xf32>,
    %swap3A_353 = vector.shape_cast %swap3A_352 : vector<1x16xf32> to vector<16xf32>
    %swap3A_354 = vector.shape_cast %broadcast_in_dim3A_1 : vector<16xf32> to vector<1x16xf32>
    tpu.vector_store %arg8[%swap3A_350, %swap3A_351], %swap3A_354 {strides = array<i32>} : memref<16x128xf32, #tpu.memory_space<vmem>>, vector<1x16xf32>,
    %swap3A_355 = arith.constant 7 : i32
    %swap3A_356 = arith.index_cast %swap3A_355 : i32 to index
    %swap3A_357 = arith.constant 48 : index
    %swap3A_358 = tpu.vector_load %arg8[%swap3A_356, %swap3A_357] {strides = array<i32>} : memref<16x128xf32, #tpu.memory_space<vmem>>, vector<1x16xf32>,
    %swap3A_359 = vector.shape_cast %swap3A_358 : vector<1x16xf32> to vector<16xf32>
    %swap3A_360 = vector.shape_cast %broadcast_in_dim3A_1 : vector<16xf32> to vector<1x16xf32>
    tpu.vector_store %arg8[%swap3A_356, %swap3A_357], %swap3A_360 {strides = array<i32>} : memref<16x128xf32, #tpu.memory_space<vmem>>, vector<1x16xf32>,
    %swap3A_361 = arith.constant 7 : i32
    %swap3A_362 = arith.index_cast %swap3A_361 : i32 to index
    %swap3A_363 = arith.constant 64 : index
    %swap3A_364 = tpu.vector_load %arg8[%swap3A_362, %swap3A_363] {strides = array<i32>} : memref<16x128xf32, #tpu.memory_space<vmem>>, vector<1x16xf32>,
    %swap3A_365 = vector.shape_cast %swap3A_364 : vector<1x16xf32> to vector<16xf32>
    %swap3A_366 = vector.shape_cast %broadcast_in_dim3A_1 : vector<16xf32> to vector<1x16xf32>
    tpu.vector_store %arg8[%swap3A_362, %swap3A_363], %swap3A_366 {strides = array<i32>} : memref<16x128xf32, #tpu.memory_space<vmem>>, vector<1x16xf32>,
    %swap3A_367 = arith.constant 7 : i32
    %swap3A_368 = arith.index_cast %swap3A_367 : i32 to index
    %swap3A_369 = arith.constant 80 : index
    %swap3A_370 = tpu.vector_load %arg8[%swap3A_368, %swap3A_369] {strides = array<i32>} : memref<16x128xf32, #tpu.memory_space<vmem>>, vector<1x16xf32>,
    %swap3A_371 = vector.shape_cast %swap3A_370 : vector<1x16xf32> to vector<16xf32>
    %swap3A_372 = vector.shape_cast %broadcast_in_dim3A_1 : vector<16xf32> to vector<1x16xf32>
    tpu.vector_store %arg8[%swap3A_368, %swap3A_369], %swap3A_372 {strides = array<i32>} : memref<16x128xf32, #tpu.memory_space<vmem>>, vector<1x16xf32>,
    %swap3A_373 = arith.constant 7 : i32
    %swap3A_374 = arith.index_cast %swap3A_373 : i32 to index
    %swap3A_375 = arith.constant 96 : index
    %swap3A_376 = tpu.vector_load %arg8[%swap3A_374, %swap3A_375] {strides = array<i32>} : memref<16x128xf32, #tpu.memory_space<vmem>>, vector<1x16xf32>,
    %swap3A_377 = vector.shape_cast %swap3A_376 : vector<1x16xf32> to vector<16xf32>
    %swap3A_378 = vector.shape_cast %broadcast_in_dim3A_1 : vector<16xf32> to vector<1x16xf32>
    tpu.vector_store %arg8[%swap3A_374, %swap3A_375], %swap3A_378 {strides = array<i32>} : memref<16x128xf32, #tpu.memory_space<vmem>>, vector<1x16xf32>,
    %swap3A_379 = arith.constant 7 : i32
    %swap3A_380 = arith.index_cast %swap3A_379 : i32 to index
    %swap3A_381 = arith.constant 112 : index
    %swap3A_382 = tpu.vector_load %arg8[%swap3A_380, %swap3A_381] {strides = array<i32>} : memref<16x128xf32, #tpu.memory_space<vmem>>, vector<1x16xf32>,
    %swap3A_383 = vector.shape_cast %swap3A_382 : vector<1x16xf32> to vector<16xf32>
    %swap3A_384 = vector.shape_cast %broadcast_in_dim3A_1 : vector<16xf32> to vector<1x16xf32>
    tpu.vector_store %arg8[%swap3A_380, %swap3A_381], %swap3A_384 {strides = array<i32>} : memref<16x128xf32, #tpu.memory_space<vmem>>, vector<1x16xf32>,
    %swap3A_385 = arith.constant 8 : i32
    %swap3A_386 = arith.index_cast %swap3A_385 : i32 to index
    %swap3A_387 = arith.constant 0 : index
    %swap3A_388 = tpu.vector_load %arg8[%swap3A_386, %swap3A_387] {strides = array<i32>} : memref<16x128xf32, #tpu.memory_space<vmem>>, vector<1x16xf32>,
    %swap3A_389 = vector.shape_cast %swap3A_388 : vector<1x16xf32> to vector<16xf32>
    %swap3A_390 = vector.shape_cast %broadcast_in_dim3A_1 : vector<16xf32> to vector<1x16xf32>
    tpu.vector_store %arg8[%swap3A_386, %swap3A_387], %swap3A_390 {strides = array<i32>} : memref<16x128xf32, #tpu.memory_space<vmem>>, vector<1x16xf32>,
    %swap3A_391 = arith.constant 8 : i32
    %swap3A_392 = arith.index_cast %swap3A_391 : i32 to index
    %swap3A_393 = arith.constant 16 : index
    %swap3A_394 = tpu.vector_load %arg8[%swap3A_392, %swap3A_393] {strides = array<i32>} : memref<16x128xf32, #tpu.memory_space<vmem>>, vector<1x16xf32>,
    %swap3A_395 = vector.shape_cast %swap3A_394 : vector<1x16xf32> to vector<16xf32>
    %swap3A_396 = vector.shape_cast %broadcast_in_dim3A_1 : vector<16xf32> to vector<1x16xf32>
    tpu.vector_store %arg8[%swap3A_392, %swap3A_393], %swap3A_396 {strides = array<i32>} : memref<16x128xf32, #tpu.memory_space<vmem>>, vector<1x16xf32>,
    %swap3A_397 = arith.constant 8 : i32
    %swap3A_398 = arith.index_cast %swap3A_397 : i32 to index
    %swap3A_399 = arith.constant 32 : index
    %swap3A_400 = tpu.vector_load %arg8[%swap3A_398, %swap3A_399] {strides = array<i32>} : memref<16x128xf32, #tpu.memory_space<vmem>>, vector<1x16xf32>,
    %swap3A_401 = vector.shape_cast %swap3A_400 : vector<1x16xf32> to vector<16xf32>
    %swap3A_402 = vector.shape_cast %broadcast_in_dim3A_1 : vector<16xf32> to vector<1x16xf32>
    tpu.vector_store %arg8[%swap3A_398, %swap3A_399], %swap3A_402 {strides = array<i32>} : memref<16x128xf32, #tpu.memory_space<vmem>>, vector<1x16xf32>,
    %swap3A_403 = arith.constant 8 : i32
    %swap3A_404 = arith.index_cast %swap3A_403 : i32 to index
    %swap3A_405 = arith.constant 48 : index
    %swap3A_406 = tpu.vector_load %arg8[%swap3A_404, %swap3A_405] {strides = array<i32>} : memref<16x128xf32, #tpu.memory_space<vmem>>, vector<1x16xf32>,
    %swap3A_407 = vector.shape_cast %swap3A_406 : vector<1x16xf32> to vector<16xf32>
    %swap3A_408 = vector.shape_cast %broadcast_in_dim3A_1 : vector<16xf32> to vector<1x16xf32>
    tpu.vector_store %arg8[%swap3A_404, %swap3A_405], %swap3A_408 {strides = array<i32>} : memref<16x128xf32, #tpu.memory_space<vmem>>, vector<1x16xf32>,
    %swap3A_409 = arith.constant 8 : i32
    %swap3A_410 = arith.index_cast %swap3A_409 : i32 to index
    %swap3A_411 = arith.constant 64 : index
    %swap3A_412 = tpu.vector_load %arg8[%swap3A_410, %swap3A_411] {strides = array<i32>} : memref<16x128xf32, #tpu.memory_space<vmem>>, vector<1x16xf32>,
    %swap3A_413 = vector.shape_cast %swap3A_412 : vector<1x16xf32> to vector<16xf32>
    %swap3A_414 = vector.shape_cast %broadcast_in_dim3A_1 : vector<16xf32> to vector<1x16xf32>
    tpu.vector_store %arg8[%swap3A_410, %swap3A_411], %swap3A_414 {strides = array<i32>} : memref<16x128xf32, #tpu.memory_space<vmem>>, vector<1x16xf32>,
    %swap3A_415 = arith.constant 8 : i32
    %swap3A_416 = arith.index_cast %swap3A_415 : i32 to index
    %swap3A_417 = arith.constant 80 : index
    %swap3A_418 = tpu.vector_load %arg8[%swap3A_416, %swap3A_417] {strides = array<i32>} : memref<16x128xf32, #tpu.memory_space<vmem>>, vector<1x16xf32>,
    %swap3A_419 = vector.shape_cast %swap3A_418 : vector<1x16xf32> to vector<16xf32>
    %swap3A_420 = vector.shape_cast %broadcast_in_dim3A_1 : vector<16xf32> to vector<1x16xf32>
    tpu.vector_store %arg8[%swap3A_416, %swap3A_417], %swap3A_420 {strides = array<i32>} : memref<16x128xf32, #tpu.memory_space<vmem>>, vector<1x16xf32>,
    %swap3A_421 = arith.constant 8 : i32
    %swap3A_422 = arith.index_cast %swap3A_421 : i32 to index
    %swap3A_423 = arith.constant 96 : index
    %swap3A_424 = tpu.vector_load %arg8[%swap3A_422, %swap3A_423] {strides = array<i32>} : memref<16x128xf32, #tpu.memory_space<vmem>>, vector<1x16xf32>,
    %swap3A_425 = vector.shape_cast %swap3A_424 : vector<1x16xf32> to vector<16xf32>
    %swap3A_426 = vector.shape_cast %broadcast_in_dim3A_1 : vector<16xf32> to vector<1x16xf32>
    tpu.vector_store %arg8[%swap3A_422, %swap3A_423], %swap3A_426 {strides = array<i32>} : memref<16x128xf32, #tpu.memory_space<vmem>>, vector<1x16xf32>,
    %swap3A_427 = arith.constant 8 : i32
    %swap3A_428 = arith.index_cast %swap3A_427 : i32 to index
    %swap3A_429 = arith.constant 112 : index
    %swap3A_430 = tpu.vector_load %arg8[%swap3A_428, %swap3A_429] {strides = array<i32>} : memref<16x128xf32, #tpu.memory_space<vmem>>, vector<1x16xf32>,
    %swap3A_431 = vector.shape_cast %swap3A_430 : vector<1x16xf32> to vector<16xf32>
    %swap3A_432 = vector.shape_cast %broadcast_in_dim3A_1 : vector<16xf32> to vector<1x16xf32>
    tpu.vector_store %arg8[%swap3A_428, %swap3A_429], %swap3A_432 {strides = array<i32>} : memref<16x128xf32, #tpu.memory_space<vmem>>, vector<1x16xf32>,
    %swap3A_433 = arith.constant 9 : i32
    %swap3A_434 = arith.index_cast %swap3A_433 : i32 to index
    %swap3A_435 = arith.constant 0 : index
    %swap3A_436 = tpu.vector_load %arg8[%swap3A_434, %swap3A_435] {strides = array<i32>} : memref<16x128xf32, #tpu.memory_space<vmem>>, vector<1x16xf32>,
    %swap3A_437 = vector.shape_cast %swap3A_436 : vector<1x16xf32> to vector<16xf32>
    %swap3A_438 = vector.shape_cast %broadcast_in_dim3A_1 : vector<16xf32> to vector<1x16xf32>
    tpu.vector_store %arg8[%swap3A_434, %swap3A_435], %swap3A_438 {strides = array<i32>} : memref<16x128xf32, #tpu.memory_space<vmem>>, vector<1x16xf32>,
    %swap3A_439 = arith.constant 9 : i32
    %swap3A_440 = arith.index_cast %swap3A_439 : i32 to index
    %swap3A_441 = arith.constant 16 : index
    %swap3A_442 = tpu.vector_load %arg8[%swap3A_440, %swap3A_441] {strides = array<i32>} : memref<16x128xf32, #tpu.memory_space<vmem>>, vector<1x16xf32>,
    %swap3A_443 = vector.shape_cast %swap3A_442 : vector<1x16xf32> to vector<16xf32>
    %swap3A_444 = vector.shape_cast %broadcast_in_dim3A_1 : vector<16xf32> to vector<1x16xf32>
    tpu.vector_store %arg8[%swap3A_440, %swap3A_441], %swap3A_444 {strides = array<i32>} : memref<16x128xf32, #tpu.memory_space<vmem>>, vector<1x16xf32>,
    %swap3A_445 = arith.constant 9 : i32
    %swap3A_446 = arith.index_cast %swap3A_445 : i32 to index
    %swap3A_447 = arith.constant 32 : index
    %swap3A_448 = tpu.vector_load %arg8[%swap3A_446, %swap3A_447] {strides = array<i32>} : memref<16x128xf32, #tpu.memory_space<vmem>>, vector<1x16xf32>,
    %swap3A_449 = vector.shape_cast %swap3A_448 : vector<1x16xf32> to vector<16xf32>
    %swap3A_450 = vector.shape_cast %broadcast_in_dim3A_1 : vector<16xf32> to vector<1x16xf32>
    tpu.vector_store %arg8[%swap3A_446, %swap3A_447], %swap3A_450 {strides = array<i32>} : memref<16x128xf32, #tpu.memory_space<vmem>>, vector<1x16xf32>,
    %swap3A_451 = arith.constant 9 : i32
    %swap3A_452 = arith.index_cast %swap3A_451 : i32 to index
    %swap3A_453 = arith.constant 48 : index
    %swap3A_454 = tpu.vector_load %arg8[%swap3A_452, %swap3A_453] {strides = array<i32>} : memref<16x128xf32, #tpu.memory_space<vmem>>, vector<1x16xf32>,
    %swap3A_455 = vector.shape_cast %swap3A_454 : vector<1x16xf32> to vector<16xf32>
    %swap3A_456 = vector.shape_cast %broadcast_in_dim3A_1 : vector<16xf32> to vector<1x16xf32>
    tpu.vector_store %arg8[%swap3A_452, %swap3A_453], %swap3A_456 {strides = array<i32>} : memref<16x128xf32, #tpu.memory_space<vmem>>, vector<1x16xf32>,
    %swap3A_457 = arith.constant 9 : i32
    %swap3A_458 = arith.index_cast %swap3A_457 : i32 to index
    %swap3A_459 = arith.constant 64 : index
    %swap3A_460 = tpu.vector_load %arg8[%swap3A_458, %swap3A_459] {strides = array<i32>} : memref<16x128xf32, #tpu.memory_space<vmem>>, vector<1x16xf32>,
    %swap3A_461 = vector.shape_cast %swap3A_460 : vector<1x16xf32> to vector<16xf32>
    %swap3A_462 = vector.shape_cast %broadcast_in_dim3A_1 : vector<16xf32> to vector<1x16xf32>
    tpu.vector_store %arg8[%swap3A_458, %swap3A_459], %swap3A_462 {strides = array<i32>} : memref<16x128xf32, #tpu.memory_space<vmem>>, vector<1x16xf32>,
    %swap3A_463 = arith.constant 9 : i32
    %swap3A_464 = arith.index_cast %swap3A_463 : i32 to index
    %swap3A_465 = arith.constant 80 : index
    %swap3A_466 = tpu.vector_load %arg8[%swap3A_464, %swap3A_465] {strides = array<i32>} : memref<16x128xf32, #tpu.memory_space<vmem>>, vector<1x16xf32>,
    %swap3A_467 = vector.shape_cast %swap3A_466 : vector<1x16xf32> to vector<16xf32>
    %swap3A_468 = vector.shape_cast %broadcast_in_dim3A_1 : vector<16xf32> to vector<1x16xf32>
    tpu.vector_store %arg8[%swap3A_464, %swap3A_465], %swap3A_468 {strides = array<i32>} : memref<16x128xf32, #tpu.memory_space<vmem>>, vector<1x16xf32>,
    %swap3A_469 = arith.constant 9 : i32
    %swap3A_470 = arith.index_cast %swap3A_469 : i32 to index
    %swap3A_471 = arith.constant 96 : index
    %swap3A_472 = tpu.vector_load %arg8[%swap3A_470, %swap3A_471] {strides = array<i32>} : memref<16x128xf32, #tpu.memory_space<vmem>>, vector<1x16xf32>,
    %swap3A_473 = vector.shape_cast %swap3A_472 : vector<1x16xf32> to vector<16xf32>
    %swap3A_474 = vector.shape_cast %broadcast_in_dim3A_1 : vector<16xf32> to vector<1x16xf32>
    tpu.vector_store %arg8[%swap3A_470, %swap3A_471], %swap3A_474 {strides = array<i32>} : memref<16x128xf32, #tpu.memory_space<vmem>>, vector<1x16xf32>,
    %swap3A_475 = arith.constant 9 : i32
    %swap3A_476 = arith.index_cast %swap3A_475 : i32 to index
    %swap3A_477 = arith.constant 112 : index
    %swap3A_478 = tpu.vector_load %arg8[%swap3A_476, %swap3A_477] {strides = array<i32>} : memref<16x128xf32, #tpu.memory_space<vmem>>, vector<1x16xf32>,
    %swap3A_479 = vector.shape_cast %swap3A_478 : vector<1x16xf32> to vector<16xf32>
    %swap3A_480 = vector.shape_cast %broadcast_in_dim3A_1 : vector<16xf32> to vector<1x16xf32>
    tpu.vector_store %arg8[%swap3A_476, %swap3A_477], %swap3A_480 {strides = array<i32>} : memref<16x128xf32, #tpu.memory_space<vmem>>, vector<1x16xf32>,
    %swap3A_481 = arith.constant 10 : i32
    %swap3A_482 = arith.index_cast %swap3A_481 : i32 to index
    %swap3A_483 = arith.constant 0 : index
    %swap3A_484 = tpu.vector_load %arg8[%swap3A_482, %swap3A_483] {strides = array<i32>} : memref<16x128xf32, #tpu.memory_space<vmem>>, vector<1x16xf32>,
    %swap3A_485 = vector.shape_cast %swap3A_484 : vector<1x16xf32> to vector<16xf32>
    %swap3A_486 = vector.shape_cast %broadcast_in_dim3A_1 : vector<16xf32> to vector<1x16xf32>
    tpu.vector_store %arg8[%swap3A_482, %swap3A_483], %swap3A_486 {strides = array<i32>} : memref<16x128xf32, #tpu.memory_space<vmem>>, vector<1x16xf32>,
    %swap3A_487 = arith.constant 10 : i32
    %swap3A_488 = arith.index_cast %swap3A_487 : i32 to index
    %swap3A_489 = arith.constant 16 : index
    %swap3A_490 = tpu.vector_load %arg8[%swap3A_488, %swap3A_489] {strides = array<i32>} : memref<16x128xf32, #tpu.memory_space<vmem>>, vector<1x16xf32>,
    %swap3A_491 = vector.shape_cast %swap3A_490 : vector<1x16xf32> to vector<16xf32>
    %swap3A_492 = vector.shape_cast %broadcast_in_dim3A_1 : vector<16xf32> to vector<1x16xf32>
    tpu.vector_store %arg8[%swap3A_488, %swap3A_489], %swap3A_492 {strides = array<i32>} : memref<16x128xf32, #tpu.memory_space<vmem>>, vector<1x16xf32>,
    %swap3A_493 = arith.constant 10 : i32
    %swap3A_494 = arith.index_cast %swap3A_493 : i32 to index
    %swap3A_495 = arith.constant 32 : index
    %swap3A_496 = tpu.vector_load %arg8[%swap3A_494, %swap3A_495] {strides = array<i32>} : memref<16x128xf32, #tpu.memory_space<vmem>>, vector<1x16xf32>,
    %swap3A_497 = vector.shape_cast %swap3A_496 : vector<1x16xf32> to vector<16xf32>
    %swap3A_498 = vector.shape_cast %broadcast_in_dim3A_1 : vector<16xf32> to vector<1x16xf32>
    tpu.vector_store %arg8[%swap3A_494, %swap3A_495], %swap3A_498 {strides = array<i32>} : memref<16x128xf32, #tpu.memory_space<vmem>>, vector<1x16xf32>,
    %swap3A_499 = arith.constant 10 : i32
    %swap3A_500 = arith.index_cast %swap3A_499 : i32 to index
    %swap3A_501 = arith.constant 48 : index
    %swap3A_502 = tpu.vector_load %arg8[%swap3A_500, %swap3A_501] {strides = array<i32>} : memref<16x128xf32, #tpu.memory_space<vmem>>, vector<1x16xf32>,
    %swap3A_503 = vector.shape_cast %swap3A_502 : vector<1x16xf32> to vector<16xf32>
    %swap3A_504 = vector.shape_cast %broadcast_in_dim3A_1 : vector<16xf32> to vector<1x16xf32>
    tpu.vector_store %arg8[%swap3A_500, %swap3A_501], %swap3A_504 {strides = array<i32>} : memref<16x128xf32, #tpu.memory_space<vmem>>, vector<1x16xf32>,
    %swap3A_505 = arith.constant 10 : i32
    %swap3A_506 = arith.index_cast %swap3A_505 : i32 to index
    %swap3A_507 = arith.constant 64 : index
    %swap3A_508 = tpu.vector_load %arg8[%swap3A_506, %swap3A_507] {strides = array<i32>} : memref<16x128xf32, #tpu.memory_space<vmem>>, vector<1x16xf32>,
    %swap3A_509 = vector.shape_cast %swap3A_508 : vector<1x16xf32> to vector<16xf32>
    %swap3A_510 = vector.shape_cast %broadcast_in_dim3A_1 : vector<16xf32> to vector<1x16xf32>
    tpu.vector_store %arg8[%swap3A_506, %swap3A_507], %swap3A_510 {strides = array<i32>} : memref<16x128xf32, #tpu.memory_space<vmem>>, vector<1x16xf32>,
    %swap3A_511 = arith.constant 10 : i32
    %swap3A_512 = arith.index_cast %swap3A_511 : i32 to index
    %swap3A_513 = arith.constant 80 : index
    %swap3A_514 = tpu.vector_load %arg8[%swap3A_512, %swap3A_513] {strides = array<i32>} : memref<16x128xf32, #tpu.memory_space<vmem>>, vector<1x16xf32>,
    %swap3A_515 = vector.shape_cast %swap3A_514 : vector<1x16xf32> to vector<16xf32>
    %swap3A_516 = vector.shape_cast %broadcast_in_dim3A_1 : vector<16xf32> to vector<1x16xf32>
    tpu.vector_store %arg8[%swap3A_512, %swap3A_513], %swap3A_516 {strides = array<i32>} : memref<16x128xf32, #tpu.memory_space<vmem>>, vector<1x16xf32>,
    %swap3A_517 = arith.constant 10 : i32
    %swap3A_518 = arith.index_cast %swap3A_517 : i32 to index
    %swap3A_519 = arith.constant 96 : index
    %swap3A_520 = tpu.vector_load %arg8[%swap3A_518, %swap3A_519] {strides = array<i32>} : memref<16x128xf32, #tpu.memory_space<vmem>>, vector<1x16xf32>,
    %swap3A_521 = vector.shape_cast %swap3A_520 : vector<1x16xf32> to vector<16xf32>
    %swap3A_522 = vector.shape_cast %broadcast_in_dim3A_1 : vector<16xf32> to vector<1x16xf32>
    tpu.vector_store %arg8[%swap3A_518, %swap3A_519], %swap3A_522 {strides = array<i32>} : memref<16x128xf32, #tpu.memory_space<vmem>>, vector<1x16xf32>,
    %swap3A_523 = arith.constant 10 : i32
    %swap3A_524 = arith.index_cast %swap3A_523 : i32 to index
    %swap3A_525 = arith.constant 112 : index
    %swap3A_526 = tpu.vector_load %arg8[%swap3A_524, %swap3A_525] {strides = array<i32>} : memref<16x128xf32, #tpu.memory_space<vmem>>, vector<1x16xf32>,
    %swap3A_527 = vector.shape_cast %swap3A_526 : vector<1x16xf32> to vector<16xf32>
    %swap3A_528 = vector.shape_cast %broadcast_in_dim3A_1 : vector<16xf32> to vector<1x16xf32>
    tpu.vector_store %arg8[%swap3A_524, %swap3A_525], %swap3A_528 {strides = array<i32>} : memref<16x128xf32, #tpu.memory_space<vmem>>, vector<1x16xf32>,
    %swap3A_529 = arith.constant 11 : i32
    %swap3A_530 = arith.index_cast %swap3A_529 : i32 to index
    %swap3A_531 = arith.constant 0 : index
    %swap3A_532 = tpu.vector_load %arg8[%swap3A_530, %swap3A_531] {strides = array<i32>} : memref<16x128xf32, #tpu.memory_space<vmem>>, vector<1x16xf32>,
    %swap3A_533 = vector.shape_cast %swap3A_532 : vector<1x16xf32> to vector<16xf32>
    %swap3A_534 = vector.shape_cast %broadcast_in_dim3A_1 : vector<16xf32> to vector<1x16xf32>
    tpu.vector_store %arg8[%swap3A_530, %swap3A_531], %swap3A_534 {strides = array<i32>} : memref<16x128xf32, #tpu.memory_space<vmem>>, vector<1x16xf32>,
    %swap3A_535 = arith.constant 11 : i32
    %swap3A_536 = arith.index_cast %swap3A_535 : i32 to index
    %swap3A_537 = arith.constant 16 : index
    %swap3A_538 = tpu.vector_load %arg8[%swap3A_536, %swap3A_537] {strides = array<i32>} : memref<16x128xf32, #tpu.memory_space<vmem>>, vector<1x16xf32>,
    %swap3A_539 = vector.shape_cast %swap3A_538 : vector<1x16xf32> to vector<16xf32>
    %swap3A_540 = vector.shape_cast %broadcast_in_dim3A_1 : vector<16xf32> to vector<1x16xf32>
    tpu.vector_store %arg8[%swap3A_536, %swap3A_537], %swap3A_540 {strides = array<i32>} : memref<16x128xf32, #tpu.memory_space<vmem>>, vector<1x16xf32>,
    %swap3A_541 = arith.constant 11 : i32
    %swap3A_542 = arith.index_cast %swap3A_541 : i32 to index
    %swap3A_543 = arith.constant 32 : index
    %swap3A_544 = tpu.vector_load %arg8[%swap3A_542, %swap3A_543] {strides = array<i32>} : memref<16x128xf32, #tpu.memory_space<vmem>>, vector<1x16xf32>,
    %swap3A_545 = vector.shape_cast %swap3A_544 : vector<1x16xf32> to vector<16xf32>
    %swap3A_546 = vector.shape_cast %broadcast_in_dim3A_1 : vector<16xf32> to vector<1x16xf32>
    tpu.vector_store %arg8[%swap3A_542, %swap3A_543], %swap3A_546 {strides = array<i32>} : memref<16x128xf32, #tpu.memory_space<vmem>>, vector<1x16xf32>,
    %swap3A_547 = arith.constant 11 : i32
    %swap3A_548 = arith.index_cast %swap3A_547 : i32 to index
    %swap3A_549 = arith.constant 48 : index
    %swap3A_550 = tpu.vector_load %arg8[%swap3A_548, %swap3A_549] {strides = array<i32>} : memref<16x128xf32, #tpu.memory_space<vmem>>, vector<1x16xf32>,
    %swap3A_551 = vector.shape_cast %swap3A_550 : vector<1x16xf32> to vector<16xf32>
    %swap3A_552 = vector.shape_cast %broadcast_in_dim3A_1 : vector<16xf32> to vector<1x16xf32>
    tpu.vector_store %arg8[%swap3A_548, %swap3A_549], %swap3A_552 {strides = array<i32>} : memref<16x128xf32, #tpu.memory_space<vmem>>, vector<1x16xf32>,
    %swap3A_553 = arith.constant 11 : i32
    %swap3A_554 = arith.index_cast %swap3A_553 : i32 to index
    %swap3A_555 = arith.constant 64 : index
    %swap3A_556 = tpu.vector_load %arg8[%swap3A_554, %swap3A_555] {strides = array<i32>} : memref<16x128xf32, #tpu.memory_space<vmem>>, vector<1x16xf32>,
    %swap3A_557 = vector.shape_cast %swap3A_556 : vector<1x16xf32> to vector<16xf32>
    %swap3A_558 = vector.shape_cast %broadcast_in_dim3A_1 : vector<16xf32> to vector<1x16xf32>
    tpu.vector_store %arg8[%swap3A_554, %swap3A_555], %swap3A_558 {strides = array<i32>} : memref<16x128xf32, #tpu.memory_space<vmem>>, vector<1x16xf32>,
    %swap3A_559 = arith.constant 11 : i32
    %swap3A_560 = arith.index_cast %swap3A_559 : i32 to index
    %swap3A_561 = arith.constant 80 : index
    %swap3A_562 = tpu.vector_load %arg8[%swap3A_560, %swap3A_561] {strides = array<i32>} : memref<16x128xf32, #tpu.memory_space<vmem>>, vector<1x16xf32>,
    %swap3A_563 = vector.shape_cast %swap3A_562 : vector<1x16xf32> to vector<16xf32>
    %swap3A_564 = vector.shape_cast %broadcast_in_dim3A_1 : vector<16xf32> to vector<1x16xf32>
    tpu.vector_store %arg8[%swap3A_560, %swap3A_561], %swap3A_564 {strides = array<i32>} : memref<16x128xf32, #tpu.memory_space<vmem>>, vector<1x16xf32>,
    %swap3A_565 = arith.constant 11 : i32
    %swap3A_566 = arith.index_cast %swap3A_565 : i32 to index
    %swap3A_567 = arith.constant 96 : index
    %swap3A_568 = tpu.vector_load %arg8[%swap3A_566, %swap3A_567] {strides = array<i32>} : memref<16x128xf32, #tpu.memory_space<vmem>>, vector<1x16xf32>,
    %swap3A_569 = vector.shape_cast %swap3A_568 : vector<1x16xf32> to vector<16xf32>
    %swap3A_570 = vector.shape_cast %broadcast_in_dim3A_1 : vector<16xf32> to vector<1x16xf32>
    tpu.vector_store %arg8[%swap3A_566, %swap3A_567], %swap3A_570 {strides = array<i32>} : memref<16x128xf32, #tpu.memory_space<vmem>>, vector<1x16xf32>,
    %swap3A_571 = arith.constant 11 : i32
    %swap3A_572 = arith.index_cast %swap3A_571 : i32 to index
    %swap3A_573 = arith.constant 112 : index
    %swap3A_574 = tpu.vector_load %arg8[%swap3A_572, %swap3A_573] {strides = array<i32>} : memref<16x128xf32, #tpu.memory_space<vmem>>, vector<1x16xf32>,
    %swap3A_575 = vector.shape_cast %swap3A_574 : vector<1x16xf32> to vector<16xf32>
    %swap3A_576 = vector.shape_cast %broadcast_in_dim3A_1 : vector<16xf32> to vector<1x16xf32>
    tpu.vector_store %arg8[%swap3A_572, %swap3A_573], %swap3A_576 {strides = array<i32>} : memref<16x128xf32, #tpu.memory_space<vmem>>, vector<1x16xf32>,
    %swap3A_577 = arith.constant 12 : i32
    %swap3A_578 = arith.index_cast %swap3A_577 : i32 to index
    %swap3A_579 = arith.constant 0 : index
    %swap3A_580 = tpu.vector_load %arg8[%swap3A_578, %swap3A_579] {strides = array<i32>} : memref<16x128xf32, #tpu.memory_space<vmem>>, vector<1x16xf32>,
    %swap3A_581 = vector.shape_cast %swap3A_580 : vector<1x16xf32> to vector<16xf32>
    %swap3A_582 = vector.shape_cast %broadcast_in_dim3A_1 : vector<16xf32> to vector<1x16xf32>
    tpu.vector_store %arg8[%swap3A_578, %swap3A_579], %swap3A_582 {strides = array<i32>} : memref<16x128xf32, #tpu.memory_space<vmem>>, vector<1x16xf32>,
    %swap3A_583 = arith.constant 12 : i32
    %swap3A_584 = arith.index_cast %swap3A_583 : i32 to index
    %swap3A_585 = arith.constant 16 : index
    %swap3A_586 = tpu.vector_load %arg8[%swap3A_584, %swap3A_585] {strides = array<i32>} : memref<16x128xf32, #tpu.memory_space<vmem>>, vector<1x16xf32>,
    %swap3A_587 = vector.shape_cast %swap3A_586 : vector<1x16xf32> to vector<16xf32>
    %swap3A_588 = vector.shape_cast %broadcast_in_dim3A_1 : vector<16xf32> to vector<1x16xf32>
    tpu.vector_store %arg8[%swap3A_584, %swap3A_585], %swap3A_588 {strides = array<i32>} : memref<16x128xf32, #tpu.memory_space<vmem>>, vector<1x16xf32>,
    %swap3A_589 = arith.constant 12 : i32
    %swap3A_590 = arith.index_cast %swap3A_589 : i32 to index
    %swap3A_591 = arith.constant 32 : index
    %swap3A_592 = tpu.vector_load %arg8[%swap3A_590, %swap3A_591] {strides = array<i32>} : memref<16x128xf32, #tpu.memory_space<vmem>>, vector<1x16xf32>,
    %swap3A_593 = vector.shape_cast %swap3A_592 : vector<1x16xf32> to vector<16xf32>
    %swap3A_594 = vector.shape_cast %broadcast_in_dim3A_1 : vector<16xf32> to vector<1x16xf32>
    tpu.vector_store %arg8[%swap3A_590, %swap3A_591], %swap3A_594 {strides = array<i32>} : memref<16x128xf32, #tpu.memory_space<vmem>>, vector<1x16xf32>,
    %swap3A_595 = arith.constant 12 : i32
    %swap3A_596 = arith.index_cast %swap3A_595 : i32 to index
    %swap3A_597 = arith.constant 48 : index
    %swap3A_598 = tpu.vector_load %arg8[%swap3A_596, %swap3A_597] {strides = array<i32>} : memref<16x128xf32, #tpu.memory_space<vmem>>, vector<1x16xf32>,
    %swap3A_599 = vector.shape_cast %swap3A_598 : vector<1x16xf32> to vector<16xf32>
    %swap3A_600 = vector.shape_cast %broadcast_in_dim3A_1 : vector<16xf32> to vector<1x16xf32>
    tpu.vector_store %arg8[%swap3A_596, %swap3A_597], %swap3A_600 {strides = array<i32>} : memref<16x128xf32, #tpu.memory_space<vmem>>, vector<1x16xf32>,
    %swap3A_601 = arith.constant 12 : i32
    %swap3A_602 = arith.index_cast %swap3A_601 : i32 to index
    %swap3A_603 = arith.constant 64 : index
    %swap3A_604 = tpu.vector_load %arg8[%swap3A_602, %swap3A_603] {strides = array<i32>} : memref<16x128xf32, #tpu.memory_space<vmem>>, vector<1x16xf32>,
    %swap3A_605 = vector.shape_cast %swap3A_604 : vector<1x16xf32> to vector<16xf32>
    %swap3A_606 = vector.shape_cast %broadcast_in_dim3A_1 : vector<16xf32> to vector<1x16xf32>
    tpu.vector_store %arg8[%swap3A_602, %swap3A_603], %swap3A_606 {strides = array<i32>} : memref<16x128xf32, #tpu.memory_space<vmem>>, vector<1x16xf32>,
    %swap3A_607 = arith.constant 12 : i32
    %swap3A_608 = arith.index_cast %swap3A_607 : i32 to index
    %swap3A_609 = arith.constant 80 : index
    %swap3A_610 = tpu.vector_load %arg8[%swap3A_608, %swap3A_609] {strides = array<i32>} : memref<16x128xf32, #tpu.memory_space<vmem>>, vector<1x16xf32>,
    %swap3A_611 = vector.shape_cast %swap3A_610 : vector<1x16xf32> to vector<16xf32>
    %swap3A_612 = vector.shape_cast %broadcast_in_dim3A_1 : vector<16xf32> to vector<1x16xf32>
    tpu.vector_store %arg8[%swap3A_608, %swap3A_609], %swap3A_612 {strides = array<i32>} : memref<16x128xf32, #tpu.memory_space<vmem>>, vector<1x16xf32>,
    %swap3A_613 = arith.constant 12 : i32
    %swap3A_614 = arith.index_cast %swap3A_613 : i32 to index
    %swap3A_615 = arith.constant 96 : index
    %swap3A_616 = tpu.vector_load %arg8[%swap3A_614, %swap3A_615] {strides = array<i32>} : memref<16x128xf32, #tpu.memory_space<vmem>>, vector<1x16xf32>,
    %swap3A_617 = vector.shape_cast %swap3A_616 : vector<1x16xf32> to vector<16xf32>
    %swap3A_618 = vector.shape_cast %broadcast_in_dim3A_1 : vector<16xf32> to vector<1x16xf32>
    tpu.vector_store %arg8[%swap3A_614, %swap3A_615], %swap3A_618 {strides = array<i32>} : memref<16x128xf32, #tpu.memory_space<vmem>>, vector<1x16xf32>,
    %swap3A_619 = arith.constant 12 : i32
    %swap3A_620 = arith.index_cast %swap3A_619 : i32 to index
    %swap3A_621 = arith.constant 112 : index
    %swap3A_622 = tpu.vector_load %arg8[%swap3A_620, %swap3A_621] {strides = array<i32>} : memref<16x128xf32, #tpu.memory_space<vmem>>, vector<1x16xf32>,
    %swap3A_623 = vector.shape_cast %swap3A_622 : vector<1x16xf32> to vector<16xf32>
    %swap3A_624 = vector.shape_cast %broadcast_in_dim3A_1 : vector<16xf32> to vector<1x16xf32>
    tpu.vector_store %arg8[%swap3A_620, %swap3A_621], %swap3A_624 {strides = array<i32>} : memref<16x128xf32, #tpu.memory_space<vmem>>, vector<1x16xf32>,
    %swap3A_625 = arith.constant 13 : i32
    %swap3A_626 = arith.index_cast %swap3A_625 : i32 to index
    %swap3A_627 = arith.constant 0 : index
    %swap3A_628 = tpu.vector_load %arg8[%swap3A_626, %swap3A_627] {strides = array<i32>} : memref<16x128xf32, #tpu.memory_space<vmem>>, vector<1x16xf32>,
    %swap3A_629 = vector.shape_cast %swap3A_628 : vector<1x16xf32> to vector<16xf32>
    %swap3A_630 = vector.shape_cast %broadcast_in_dim3A_1 : vector<16xf32> to vector<1x16xf32>
    tpu.vector_store %arg8[%swap3A_626, %swap3A_627], %swap3A_630 {strides = array<i32>} : memref<16x128xf32, #tpu.memory_space<vmem>>, vector<1x16xf32>,
    %swap3A_631 = arith.constant 13 : i32
    %swap3A_632 = arith.index_cast %swap3A_631 : i32 to index
    %swap3A_633 = arith.constant 16 : index
    %swap3A_634 = tpu.vector_load %arg8[%swap3A_632, %swap3A_633] {strides = array<i32>} : memref<16x128xf32, #tpu.memory_space<vmem>>, vector<1x16xf32>,
    %swap3A_635 = vector.shape_cast %swap3A_634 : vector<1x16xf32> to vector<16xf32>
    %swap3A_636 = vector.shape_cast %broadcast_in_dim3A_1 : vector<16xf32> to vector<1x16xf32>
    tpu.vector_store %arg8[%swap3A_632, %swap3A_633], %swap3A_636 {strides = array<i32>} : memref<16x128xf32, #tpu.memory_space<vmem>>, vector<1x16xf32>,
    %swap3A_637 = arith.constant 13 : i32
    %swap3A_638 = arith.index_cast %swap3A_637 : i32 to index
    %swap3A_639 = arith.constant 32 : index
    %swap3A_640 = tpu.vector_load %arg8[%swap3A_638, %swap3A_639] {strides = array<i32>} : memref<16x128xf32, #tpu.memory_space<vmem>>, vector<1x16xf32>,
    %swap3A_641 = vector.shape_cast %swap3A_640 : vector<1x16xf32> to vector<16xf32>
    %swap3A_642 = vector.shape_cast %broadcast_in_dim3A_1 : vector<16xf32> to vector<1x16xf32>
    tpu.vector_store %arg8[%swap3A_638, %swap3A_639], %swap3A_642 {strides = array<i32>} : memref<16x128xf32, #tpu.memory_space<vmem>>, vector<1x16xf32>,
    %swap3A_643 = arith.constant 13 : i32
    %swap3A_644 = arith.index_cast %swap3A_643 : i32 to index
    %swap3A_645 = arith.constant 48 : index
    %swap3A_646 = tpu.vector_load %arg8[%swap3A_644, %swap3A_645] {strides = array<i32>} : memref<16x128xf32, #tpu.memory_space<vmem>>, vector<1x16xf32>,
    %swap3A_647 = vector.shape_cast %swap3A_646 : vector<1x16xf32> to vector<16xf32>
    %swap3A_648 = vector.shape_cast %broadcast_in_dim3A_1 : vector<16xf32> to vector<1x16xf32>
    tpu.vector_store %arg8[%swap3A_644, %swap3A_645], %swap3A_648 {strides = array<i32>} : memref<16x128xf32, #tpu.memory_space<vmem>>, vector<1x16xf32>,
    %swap3A_649 = arith.constant 13 : i32
    %swap3A_650 = arith.index_cast %swap3A_649 : i32 to index
    %swap3A_651 = arith.constant 64 : index
    %swap3A_652 = tpu.vector_load %arg8[%swap3A_650, %swap3A_651] {strides = array<i32>} : memref<16x128xf32, #tpu.memory_space<vmem>>, vector<1x16xf32>,
    %swap3A_653 = vector.shape_cast %swap3A_652 : vector<1x16xf32> to vector<16xf32>
    %swap3A_654 = vector.shape_cast %broadcast_in_dim3A_1 : vector<16xf32> to vector<1x16xf32>
    tpu.vector_store %arg8[%swap3A_650, %swap3A_651], %swap3A_654 {strides = array<i32>} : memref<16x128xf32, #tpu.memory_space<vmem>>, vector<1x16xf32>,
    %swap3A_655 = arith.constant 13 : i32
    %swap3A_656 = arith.index_cast %swap3A_655 : i32 to index
    %swap3A_657 = arith.constant 80 : index
    %swap3A_658 = tpu.vector_load %arg8[%swap3A_656, %swap3A_657] {strides = array<i32>} : memref<16x128xf32, #tpu.memory_space<vmem>>, vector<1x16xf32>,
    %swap3A_659 = vector.shape_cast %swap3A_658 : vector<1x16xf32> to vector<16xf32>
    %swap3A_660 = vector.shape_cast %broadcast_in_dim3A_1 : vector<16xf32> to vector<1x16xf32>
    tpu.vector_store %arg8[%swap3A_656, %swap3A_657], %swap3A_660 {strides = array<i32>} : memref<16x128xf32, #tpu.memory_space<vmem>>, vector<1x16xf32>,
    %swap3A_661 = arith.constant 13 : i32
    %swap3A_662 = arith.index_cast %swap3A_661 : i32 to index
    %swap3A_663 = arith.constant 96 : index
    %swap3A_664 = tpu.vector_load %arg8[%swap3A_662, %swap3A_663] {strides = array<i32>} : memref<16x128xf32, #tpu.memory_space<vmem>>, vector<1x16xf32>,
    %swap3A_665 = vector.shape_cast %swap3A_664 : vector<1x16xf32> to vector<16xf32>
    %swap3A_666 = vector.shape_cast %broadcast_in_dim3A_1 : vector<16xf32> to vector<1x16xf32>
    tpu.vector_store %arg8[%swap3A_662, %swap3A_663], %swap3A_666 {strides = array<i32>} : memref<16x128xf32, #tpu.memory_space<vmem>>, vector<1x16xf32>,
    %swap3A_667 = arith.constant 13 : i32
    %swap3A_668 = arith.index_cast %swap3A_667 : i32 to index
    %swap3A_669 = arith.constant 112 : index
    %swap3A_670 = tpu.vector_load %arg8[%swap3A_668, %swap3A_669] {strides = array<i32>} : memref<16x128xf32, #tpu.memory_space<vmem>>, vector<1x16xf32>,
    %swap3A_671 = vector.shape_cast %swap3A_670 : vector<1x16xf32> to vector<16xf32>
    %swap3A_672 = vector.shape_cast %broadcast_in_dim3A_1 : vector<16xf32> to vector<1x16xf32>
    tpu.vector_store %arg8[%swap3A_668, %swap3A_669], %swap3A_672 {strides = array<i32>} : memref<16x128xf32, #tpu.memory_space<vmem>>, vector<1x16xf32>,
    %swap3A_673 = arith.constant 14 : i32
    %swap3A_674 = arith.index_cast %swap3A_673 : i32 to index
    %swap3A_675 = arith.constant 0 : index
    %swap3A_676 = tpu.vector_load %arg8[%swap3A_674, %swap3A_675] {strides = array<i32>} : memref<16x128xf32, #tpu.memory_space<vmem>>, vector<1x16xf32>,
    %swap3A_677 = vector.shape_cast %swap3A_676 : vector<1x16xf32> to vector<16xf32>
    %swap3A_678 = vector.shape_cast %broadcast_in_dim3A_1 : vector<16xf32> to vector<1x16xf32>
    tpu.vector_store %arg8[%swap3A_674, %swap3A_675], %swap3A_678 {strides = array<i32>} : memref<16x128xf32, #tpu.memory_space<vmem>>, vector<1x16xf32>,
    %swap3A_679 = arith.constant 14 : i32
    %swap3A_680 = arith.index_cast %swap3A_679 : i32 to index
    %swap3A_681 = arith.constant 16 : index
    %swap3A_682 = tpu.vector_load %arg8[%swap3A_680, %swap3A_681] {strides = array<i32>} : memref<16x128xf32, #tpu.memory_space<vmem>>, vector<1x16xf32>,
    %swap3A_683 = vector.shape_cast %swap3A_682 : vector<1x16xf32> to vector<16xf32>
    %swap3A_684 = vector.shape_cast %broadcast_in_dim3A_1 : vector<16xf32> to vector<1x16xf32>
    tpu.vector_store %arg8[%swap3A_680, %swap3A_681], %swap3A_684 {strides = array<i32>} : memref<16x128xf32, #tpu.memory_space<vmem>>, vector<1x16xf32>,
    %swap3A_685 = arith.constant 14 : i32
    %swap3A_686 = arith.index_cast %swap3A_685 : i32 to index
    %swap3A_687 = arith.constant 32 : index
    %swap3A_688 = tpu.vector_load %arg8[%swap3A_686, %swap3A_687] {strides = array<i32>} : memref<16x128xf32, #tpu.memory_space<vmem>>, vector<1x16xf32>,
    %swap3A_689 = vector.shape_cast %swap3A_688 : vector<1x16xf32> to vector<16xf32>
    %swap3A_690 = vector.shape_cast %broadcast_in_dim3A_1 : vector<16xf32> to vector<1x16xf32>
    tpu.vector_store %arg8[%swap3A_686, %swap3A_687], %swap3A_690 {strides = array<i32>} : memref<16x128xf32, #tpu.memory_space<vmem>>, vector<1x16xf32>,
    %swap3A_691 = arith.constant 14 : i32
    %swap3A_692 = arith.index_cast %swap3A_691 : i32 to index
    %swap3A_693 = arith.constant 48 : index
    %swap3A_694 = tpu.vector_load %arg8[%swap3A_692, %swap3A_693] {strides = array<i32>} : memref<16x128xf32, #tpu.memory_space<vmem>>, vector<1x16xf32>,
    %swap3A_695 = vector.shape_cast %swap3A_694 : vector<1x16xf32> to vector<16xf32>
    %swap3A_696 = vector.shape_cast %broadcast_in_dim3A_1 : vector<16xf32> to vector<1x16xf32>
    tpu.vector_store %arg8[%swap3A_692, %swap3A_693], %swap3A_696 {strides = array<i32>} : memref<16x128xf32, #tpu.memory_space<vmem>>, vector<1x16xf32>,
    %swap3A_697 = arith.constant 14 : i32
    %swap3A_698 = arith.index_cast %swap3A_697 : i32 to index
    %swap3A_699 = arith.constant 64 : index
    %swap3A_700 = tpu.vector_load %arg8[%swap3A_698, %swap3A_699] {strides = array<i32>} : memref<16x128xf32, #tpu.memory_space<vmem>>, vector<1x16xf32>,
    %swap3A_701 = vector.shape_cast %swap3A_700 : vector<1x16xf32> to vector<16xf32>
    %swap3A_702 = vector.shape_cast %broadcast_in_dim3A_1 : vector<16xf32> to vector<1x16xf32>
    tpu.vector_store %arg8[%swap3A_698, %swap3A_699], %swap3A_702 {strides = array<i32>} : memref<16x128xf32, #tpu.memory_space<vmem>>, vector<1x16xf32>,
    %swap3A_703 = arith.constant 14 : i32
    %swap3A_704 = arith.index_cast %swap3A_703 : i32 to index
    %swap3A_705 = arith.constant 80 : index
    %swap3A_706 = tpu.vector_load %arg8[%swap3A_704, %swap3A_705] {strides = array<i32>} : memref<16x128xf32, #tpu.memory_space<vmem>>, vector<1x16xf32>,
    %swap3A_707 = vector.shape_cast %swap3A_706 : vector<1x16xf32> to vector<16xf32>
    %swap3A_708 = vector.shape_cast %broadcast_in_dim3A_1 : vector<16xf32> to vector<1x16xf32>
    tpu.vector_store %arg8[%swap3A_704, %swap3A_705], %swap3A_708 {strides = array<i32>} : memref<16x128xf32, #tpu.memory_space<vmem>>, vector<1x16xf32>,
    %swap3A_709 = arith.constant 14 : i32
    %swap3A_710 = arith.index_cast %swap3A_709 : i32 to index
    %swap3A_711 = arith.constant 96 : index
    %swap3A_712 = tpu.vector_load %arg8[%swap3A_710, %swap3A_711] {strides = array<i32>} : memref<16x128xf32, #tpu.memory_space<vmem>>, vector<1x16xf32>,
    %swap3A_713 = vector.shape_cast %swap3A_712 : vector<1x16xf32> to vector<16xf32>
    %swap3A_714 = vector.shape_cast %broadcast_in_dim3A_1 : vector<16xf32> to vector<1x16xf32>
    tpu.vector_store %arg8[%swap3A_710, %swap3A_711], %swap3A_714 {strides = array<i32>} : memref<16x128xf32, #tpu.memory_space<vmem>>, vector<1x16xf32>,
    %swap3A_715 = arith.constant 14 : i32
    %swap3A_716 = arith.index_cast %swap3A_715 : i32 to index
    %swap3A_717 = arith.constant 112 : index
    %swap3A_718 = tpu.vector_load %arg8[%swap3A_716, %swap3A_717] {strides = array<i32>} : memref<16x128xf32, #tpu.memory_space<vmem>>, vector<1x16xf32>,
    %swap3A_719 = vector.shape_cast %swap3A_718 : vector<1x16xf32> to vector<16xf32>
    %swap3A_720 = vector.shape_cast %broadcast_in_dim3A_1 : vector<16xf32> to vector<1x16xf32>
    tpu.vector_store %arg8[%swap3A_716, %swap3A_717], %swap3A_720 {strides = array<i32>} : memref<16x128xf32, #tpu.memory_space<vmem>>, vector<1x16xf32>,
    %swap3A_721 = arith.constant 15 : i32
    %swap3A_722 = arith.index_cast %swap3A_721 : i32 to index
    %swap3A_723 = arith.constant 0 : index
    %swap3A_724 = tpu.vector_load %arg8[%swap3A_722, %swap3A_723] {strides = array<i32>} : memref<16x128xf32, #tpu.memory_space<vmem>>, vector<1x16xf32>,
    %swap3A_725 = vector.shape_cast %swap3A_724 : vector<1x16xf32> to vector<16xf32>
    %swap3A_726 = vector.shape_cast %broadcast_in_dim3A_1 : vector<16xf32> to vector<1x16xf32>
    tpu.vector_store %arg8[%swap3A_722, %swap3A_723], %swap3A_726 {strides = array<i32>} : memref<16x128xf32, #tpu.memory_space<vmem>>, vector<1x16xf32>,
    %swap3A_727 = arith.constant 15 : i32
    %swap3A_728 = arith.index_cast %swap3A_727 : i32 to index
    %swap3A_729 = arith.constant 16 : index
    %swap3A_730 = tpu.vector_load %arg8[%swap3A_728, %swap3A_729] {strides = array<i32>} : memref<16x128xf32, #tpu.memory_space<vmem>>, vector<1x16xf32>,
    %swap3A_731 = vector.shape_cast %swap3A_730 : vector<1x16xf32> to vector<16xf32>
    %swap3A_732 = vector.shape_cast %broadcast_in_dim3A_1 : vector<16xf32> to vector<1x16xf32>
    tpu.vector_store %arg8[%swap3A_728, %swap3A_729], %swap3A_732 {strides = array<i32>} : memref<16x128xf32, #tpu.memory_space<vmem>>, vector<1x16xf32>,
    %swap3A_733 = arith.constant 15 : i32
    %swap3A_734 = arith.index_cast %swap3A_733 : i32 to index
    %swap3A_735 = arith.constant 32 : index
    %swap3A_736 = tpu.vector_load %arg8[%swap3A_734, %swap3A_735] {strides = array<i32>} : memref<16x128xf32, #tpu.memory_space<vmem>>, vector<1x16xf32>,
    %swap3A_737 = vector.shape_cast %swap3A_736 : vector<1x16xf32> to vector<16xf32>
    %swap3A_738 = vector.shape_cast %broadcast_in_dim3A_1 : vector<16xf32> to vector<1x16xf32>
    tpu.vector_store %arg8[%swap3A_734, %swap3A_735], %swap3A_738 {strides = array<i32>} : memref<16x128xf32, #tpu.memory_space<vmem>>, vector<1x16xf32>,
    %swap3A_739 = arith.constant 15 : i32
    %swap3A_740 = arith.index_cast %swap3A_739 : i32 to index
    %swap3A_741 = arith.constant 48 : index
    %swap3A_742 = tpu.vector_load %arg8[%swap3A_740, %swap3A_741] {strides = array<i32>} : memref<16x128xf32, #tpu.memory_space<vmem>>, vector<1x16xf32>,
    %swap3A_743 = vector.shape_cast %swap3A_742 : vector<1x16xf32> to vector<16xf32>
    %swap3A_744 = vector.shape_cast %broadcast_in_dim3A_1 : vector<16xf32> to vector<1x16xf32>
    tpu.vector_store %arg8[%swap3A_740, %swap3A_741], %swap3A_744 {strides = array<i32>} : memref<16x128xf32, #tpu.memory_space<vmem>>, vector<1x16xf32>,
    %swap3A_745 = arith.constant 15 : i32
    %swap3A_746 = arith.index_cast %swap3A_745 : i32 to index
    %swap3A_747 = arith.constant 64 : index
    %swap3A_748 = tpu.vector_load %arg8[%swap3A_746, %swap3A_747] {strides = array<i32>} : memref<16x128xf32, #tpu.memory_space<vmem>>, vector<1x16xf32>,
    %swap3A_749 = vector.shape_cast %swap3A_748 : vector<1x16xf32> to vector<16xf32>
    %swap3A_750 = vector.shape_cast %broadcast_in_dim3A_1 : vector<16xf32> to vector<1x16xf32>
    tpu.vector_store %arg8[%swap3A_746, %swap3A_747], %swap3A_750 {strides = array<i32>} : memref<16x128xf32, #tpu.memory_space<vmem>>, vector<1x16xf32>,
    %swap3A_751 = arith.constant 15 : i32
    %swap3A_752 = arith.index_cast %swap3A_751 : i32 to index
    %swap3A_753 = arith.constant 80 : index
    %swap3A_754 = tpu.vector_load %arg8[%swap3A_752, %swap3A_753] {strides = array<i32>} : memref<16x128xf32, #tpu.memory_space<vmem>>, vector<1x16xf32>,
    %swap3A_755 = vector.shape_cast %swap3A_754 : vector<1x16xf32> to vector<16xf32>
    %swap3A_756 = vector.shape_cast %broadcast_in_dim3A_1 : vector<16xf32> to vector<1x16xf32>
    tpu.vector_store %arg8[%swap3A_752, %swap3A_753], %swap3A_756 {strides = array<i32>} : memref<16x128xf32, #tpu.memory_space<vmem>>, vector<1x16xf32>,
    %swap3A_757 = arith.constant 15 : i32
    %swap3A_758 = arith.index_cast %swap3A_757 : i32 to index
    %swap3A_759 = arith.constant 96 : index
    %swap3A_760 = tpu.vector_load %arg8[%swap3A_758, %swap3A_759] {strides = array<i32>} : memref<16x128xf32, #tpu.memory_space<vmem>>, vector<1x16xf32>,
    %swap3A_761 = vector.shape_cast %swap3A_760 : vector<1x16xf32> to vector<16xf32>
    %swap3A_762 = vector.shape_cast %broadcast_in_dim3A_1 : vector<16xf32> to vector<1x16xf32>
    tpu.vector_store %arg8[%swap3A_758, %swap3A_759], %swap3A_762 {strides = array<i32>} : memref<16x128xf32, #tpu.memory_space<vmem>>, vector<1x16xf32>,
    %swap3A_763 = arith.constant 15 : i32
    %swap3A_764 = arith.index_cast %swap3A_763 : i32 to index
    %swap3A_765 = arith.constant 112 : index
    %swap3A_766 = tpu.vector_load %arg8[%swap3A_764, %swap3A_765] {strides = array<i32>} : memref<16x128xf32, #tpu.memory_space<vmem>>, vector<1x16xf32>,
    %swap3A_767 = vector.shape_cast %swap3A_766 : vector<1x16xf32> to vector<16xf32>
    %swap3A_768 = vector.shape_cast %broadcast_in_dim3A_1 : vector<16xf32> to vector<1x16xf32>
    tpu.vector_store %arg8[%swap3A_764, %swap3A_765], %swap3A_768 {strides = array<i32>} : memref<16x128xf32, #tpu.memory_space<vmem>>, vector<1x16xf32>,
    %scan3A = arith.constant 0 : i32
    %scan3A_769 = arith.constant 0 : i32
    %scan3A_770 = arith.constant 39 : i32
    %scan3A_771 = arith.addi %scan3A_769, %scan3A_770 : i32
    %scan3A_772 = arith.constant 1 : i32
    scf.for %scan3A_935 = %scan3A_769 to %scan3A_771 step %scan3A_772  : i32 {
      %mul3A_936 = arith.constant 632 : i32
      %mul3A_937 = arith.muli %arg1, %mul3A_936 : i32
      %mul3A_938 = arith.constant 16 : i32
      %mul3A_939 = arith.muli %scan3A_935, %mul3A_938 : i32
      %add3A_940 = arith.addi %mul3A_937, %mul3A_939 : i32
      %dma_start3A_941 = arith.constant 0 : i32
      %dma_start3A_942 = tpu.memref_slice %arg9[%add3A_940, %dma_start3A_941] : memref<10112x128xf32, #tpu.memory_space<vmem_shared>> -> memref<16x128xf32, #tpu.memory_space<vmem_shared>>
      %dma_start3A_943 = arith.constant 0 : i32
      %dma_start3A_944 = tpu.memref_slice %arg9[%add3A_940, %dma_start3A_943] : memref<10112x128xf32, #tpu.memory_space<vmem_shared>> -> memref<16x128xf32, #tpu.memory_space<vmem_shared>>
      tpu.enqueue_dma source(%arg8 : memref<16x128xf32, #tpu.memory_space<vmem>>) target(%dma_start3A_944 : memref<16x128xf32, #tpu.memory_space<vmem_shared>>) target_semaphore(%arg10 : memref<!tpu.dma_semaphore, #tpu.memory_space<semaphore_mem>>)
    }
    %scan3A_773 = arith.constant 39 : i32
    %mul3A_774 = arith.constant 632 : i32
    %mul3A_775 = arith.muli %arg1, %mul3A_774 : i32
    %add3A_776 = arith.constant 624 : i32
    %add3A_777 = arith.addi %mul3A_775, %add3A_776 : i32
    %dma_start3A = arith.constant 0 : i32
    %dma_start3A_778 = arith.constant 0 : i32
    %dma_start3A_779 = tpu.memref_slice %arg8[%dma_start3A, %dma_start3A_778] : memref<16x128xf32, #tpu.memory_space<vmem>> -> memref<8x128xf32, #tpu.memory_space<vmem>>
    %dma_start3A_780 = arith.constant 0 : i32
    %dma_start3A_781 = tpu.memref_slice %arg9[%add3A_777, %dma_start3A_780] : memref<10112x128xf32, #tpu.memory_space<vmem_shared>> -> memref<8x128xf32, #tpu.memory_space<vmem_shared>>
    %dma_start3A_782 = arith.constant 0 : i32
    %dma_start3A_783 = tpu.memref_slice %arg9[%add3A_777, %dma_start3A_782] : memref<10112x128xf32, #tpu.memory_space<vmem_shared>> -> memref<8x128xf32, #tpu.memory_space<vmem_shared>>
    %dma_start3A_784 = arith.constant 0 : i32
    %dma_start3A_785 = arith.constant 0 : i32
    %dma_start3A_786 = tpu.memref_slice %arg8[%dma_start3A_784, %dma_start3A_785] : memref<16x128xf32, #tpu.memory_space<vmem>> -> memref<8x128xf32, #tpu.memory_space<vmem>>
    tpu.enqueue_dma source(%dma_start3A_786 : memref<8x128xf32, #tpu.memory_space<vmem>>) target(%dma_start3A_783 : memref<8x128xf32, #tpu.memory_space<vmem_shared>>) target_semaphore(%arg11 : memref<!tpu.dma_semaphore, #tpu.memory_space<semaphore_mem>>)
    %scan3A_787 = arith.constant 0 : i32
    %scan3A_788 = arith.constant 0 : i32
    %scan3A_789 = arith.constant 39 : i32
    %scan3A_790 = arith.addi %scan3A_788, %scan3A_789 : i32
    %scan3A_791 = arith.constant 1 : i32
    scf.for %scan3A_935 = %scan3A_788 to %scan3A_790 step %scan3A_791  : i32 {
      %mul3A_936 = arith.constant 632 : i32
      %mul3A_937 = arith.muli %arg1, %mul3A_936 : i32
      %dma_wait3A_938 = arith.constant 0 : i32
      %dma_wait3A_939 = tpu.memref_slice %arg9[%mul3A_937, %dma_wait3A_938] : memref<10112x128xf32, #tpu.memory_space<vmem_shared>> -> memref<16x128xf32, #tpu.memory_space<vmem_shared>>
      %dma_wait3A_940 = arith.constant 0 : i32
      %dma_wait3A_941 = tpu.memref_slice %arg9[%mul3A_937, %dma_wait3A_940] : memref<10112x128xf32, #tpu.memory_space<vmem_shared>> -> memref<16x128xf32, #tpu.memory_space<vmem_shared>>
      tpu.wait_dma2 semaphore(%arg10 : memref<!tpu.dma_semaphore, #tpu.memory_space<semaphore_mem>>) src(%arg8 : memref<16x128xf32, #tpu.memory_space<vmem>>) dst(%dma_wait3A_941 : memref<16x128xf32, #tpu.memory_space<vmem_shared>>)
    }
    %scan3A_792 = arith.constant 39 : i32
    %mul3A_793 = arith.constant 632 : i32
    %mul3A_794 = arith.muli %arg1, %mul3A_793 : i32
    %dma_wait3A = arith.constant 0 : i32
    %dma_wait3A_795 = arith.constant 0 : i32
    %dma_wait3A_796 = tpu.memref_slice %arg8[%dma_wait3A, %dma_wait3A_795] : memref<16x128xf32, #tpu.memory_space<vmem>> -> memref<8x128xf32, #tpu.memory_space<vmem>>
    %dma_wait3A_797 = arith.constant 0 : i32
    %dma_wait3A_798 = tpu.memref_slice %arg9[%mul3A_794, %dma_wait3A_797] : memref<10112x128xf32, #tpu.memory_space<vmem_shared>> -> memref<8x128xf32, #tpu.memory_space<vmem_shared>>
    %dma_wait3A_799 = arith.constant 0 : i32
    %dma_wait3A_800 = tpu.memref_slice %arg9[%mul3A_794, %dma_wait3A_799] : memref<10112x128xf32, #tpu.memory_space<vmem_shared>> -> memref<8x128xf32, #tpu.memory_space<vmem_shared>>
    %dma_wait3A_801 = arith.constant 0 : i32
    %dma_wait3A_802 = arith.constant 0 : i32
    %dma_wait3A_803 = tpu.memref_slice %arg8[%dma_wait3A_801, %dma_wait3A_802] : memref<16x128xf32, #tpu.memory_space<vmem>> -> memref<8x128xf32, #tpu.memory_space<vmem>>
    tpu.wait_dma2 semaphore(%arg11 : memref<!tpu.dma_semaphore, #tpu.memory_space<semaphore_mem>>) src(%dma_wait3A_803 : memref<8x128xf32, #tpu.memory_space<vmem>>) dst(%dma_wait3A_800 : memref<8x128xf32, #tpu.memory_space<vmem_shared>>)
    %mul3A_804 = arith.constant 80 : i32
    %mul3A_805 = arith.muli %add3A, %mul3A_804 : i32
    %dma_start3A_806 = arith.constant 0 : i32
    %dma_start3A_807 = arith.constant 0 : i32
    %dma_start3A_808 = tpu.memref_slice %arg3[%dma_start3A_806, %mul3A_805, %dma_start3A_807] : memref<2x2560x125xi32, #tpu.memory_space<hbm>> -> memref<1x40x125xi32, #tpu.memory_space<hbm>>
    %dma_start3A_809 = tpu.memref_squeeze %dma_start3A_808 : memref<1x40x125xi32, #tpu.memory_space<hbm>> -> memref<40x125xi32, #tpu.memory_space<hbm>>
    %dma_start3A_810 = arith.constant 0 : i32
    %dma_start3A_811 = tpu.memref_slice %arg3[%dma_start3A_806, %mul3A_805, %dma_start3A_810] : memref<2x2560x125xi32, #tpu.memory_space<hbm>> -> memref<1x40x125xi32, #tpu.memory_space<hbm>>
    %dma_start3A_812 = tpu.memref_squeeze %dma_start3A_811 : memref<1x40x125xi32, #tpu.memory_space<hbm>> -> memref<40x125xi32, #tpu.memory_space<hbm>>
    tpu.enqueue_dma source(%dma_start3A_812 : memref<40x125xi32, #tpu.memory_space<hbm>>) target(%arg5 : memref<40x125xi32, #tpu.memory_space<vmem>>) target_semaphore(%arg12 : memref<!tpu.dma_semaphore, #tpu.memory_space<semaphore_mem>>)
    %dma_start3A_813 = arith.constant 1 : i32
    %dma_start3A_814 = arith.constant 0 : i32
    %dma_start3A_815 = tpu.memref_slice %arg3[%dma_start3A_813, %mul3A_805, %dma_start3A_814] : memref<2x2560x125xi32, #tpu.memory_space<hbm>> -> memref<1x40x125xi32, #tpu.memory_space<hbm>>
    %dma_start3A_816 = tpu.memref_squeeze %dma_start3A_815 : memref<1x40x125xi32, #tpu.memory_space<hbm>> -> memref<40x125xi32, #tpu.memory_space<hbm>>
    %dma_start3A_817 = arith.constant 0 : i32
    %dma_start3A_818 = tpu.memref_slice %arg3[%dma_start3A_813, %mul3A_805, %dma_start3A_817] : memref<2x2560x125xi32, #tpu.memory_space<hbm>> -> memref<1x40x125xi32, #tpu.memory_space<hbm>>
    %dma_start3A_819 = tpu.memref_squeeze %dma_start3A_818 : memref<1x40x125xi32, #tpu.memory_space<hbm>> -> memref<40x125xi32, #tpu.memory_space<hbm>>
    tpu.enqueue_dma source(%dma_start3A_819 : memref<40x125xi32, #tpu.memory_space<hbm>>) target(%arg6 : memref<40x125xi32, #tpu.memory_space<vmem>>) target_semaphore(%arg13 : memref<!tpu.dma_semaphore, #tpu.memory_space<semaphore_mem>>)
    %dma_wait3A_820 = arith.constant 0 : i32
    %dma_wait3A_821 = arith.constant 0 : i32
    %dma_wait3A_822 = tpu.memref_slice %arg3[%dma_wait3A_820, %mul3A_805, %dma_wait3A_821] : memref<2x2560x125xi32, #tpu.memory_space<hbm>> -> memref<1x40x125xi32, #tpu.memory_space<hbm>>
    %dma_wait3A_823 = tpu.memref_squeeze %dma_wait3A_822 : memref<1x40x125xi32, #tpu.memory_space<hbm>> -> memref<40x125xi32, #tpu.memory_space<hbm>>
    %dma_wait3A_824 = arith.constant 0 : i32
    %dma_wait3A_825 = tpu.memref_slice %arg3[%dma_wait3A_820, %mul3A_805, %dma_wait3A_824] : memref<2x2560x125xi32, #tpu.memory_space<hbm>> -> memref<1x40x125xi32, #tpu.memory_space<hbm>>
    %dma_wait3A_826 = tpu.memref_squeeze %dma_wait3A_825 : memref<1x40x125xi32, #tpu.memory_space<hbm>> -> memref<40x125xi32, #tpu.memory_space<hbm>>
    tpu.wait_dma2 semaphore(%arg12 : memref<!tpu.dma_semaphore, #tpu.memory_space<semaphore_mem>>) src(%dma_wait3A_826 : memref<40x125xi32, #tpu.memory_space<hbm>>) dst(%arg5 : memref<40x125xi32, #tpu.memory_space<vmem>>)
    %dma_wait3A_827 = arith.constant 1 : i32
    %dma_wait3A_828 = arith.constant 0 : i32
    %dma_wait3A_829 = tpu.memref_slice %arg3[%dma_wait3A_827, %mul3A_805, %dma_wait3A_828] : memref<2x2560x125xi32, #tpu.memory_space<hbm>> -> memref<1x40x125xi32, #tpu.memory_space<hbm>>
    %dma_wait3A_830 = tpu.memref_squeeze %dma_wait3A_829 : memref<1x40x125xi32, #tpu.memory_space<hbm>> -> memref<40x125xi32, #tpu.memory_space<hbm>>
    %dma_wait3A_831 = arith.constant 0 : i32
    %dma_wait3A_832 = tpu.memref_slice %arg3[%dma_wait3A_827, %mul3A_805, %dma_wait3A_831] : memref<2x2560x125xi32, #tpu.memory_space<hbm>> -> memref<1x40x125xi32, #tpu.memory_space<hbm>>
    %dma_wait3A_833 = tpu.memref_squeeze %dma_wait3A_832 : memref<1x40x125xi32, #tpu.memory_space<hbm>> -> memref<40x125xi32, #tpu.memory_space<hbm>>
    tpu.wait_dma2 semaphore(%arg13 : memref<!tpu.dma_semaphore, #tpu.memory_space<semaphore_mem>>) src(%dma_wait3A_833 : memref<40x125xi32, #tpu.memory_space<hbm>>) dst(%arg6 : memref<40x125xi32, #tpu.memory_space<vmem>>)
    %dma_start3A_834 = arith.constant 0 : i32
    %dma_start3A_835 = arith.constant 0 : i32
    %dma_start3A_836 = arith.constant 0 : i32
    %dma_start3A_837 = arith.constant 0 : i32
    %dma_start3A_838 = tpu.memref_slice %arg7[%dma_start3A_835, %dma_start3A_836, %dma_start3A_837] : memref<2x125x128xf32, #tpu.memory_space<vmem>> -> memref<1x125x128xf32, #tpu.memory_space<vmem>>
    %dma_start3A_839 = tpu.memref_squeeze %dma_start3A_838 : memref<1x125x128xf32, #tpu.memory_space<vmem>> -> memref<125x128xf32, #tpu.memory_space<vmem>>
    %dma_start3A_840 = arith.constant 0 : i32
    %dma_start3A_841 = tpu.memref_slice %arg5[%dma_start3A_834, %dma_start3A_840] : memref<40x125xi32, #tpu.memory_space<vmem>> -> memref<1x125xi32, #tpu.memory_space<vmem>>
    %dma_start3A_842 = tpu.memref_squeeze %dma_start3A_841 : memref<1x125xi32, #tpu.memory_space<vmem>> -> memref<125xi32, #tpu.memory_space<vmem>>
    %dma_start3A_843 = arith.constant 0 : i32
    %dma_start3A_844 = arith.constant 0 : i32
    %dma_start3A_845 = tpu.memref_slice %arg2[%dma_start3A_843, %dma_start3A_844] : memref<10000x128xf32, #tpu.memory_space<hbm>> -> memref<10000x128xf32, #tpu.memory_space<hbm>>
    tpu.enqueue_indirect_dma source(%dma_start3A_845 : memref<10000x128xf32, #tpu.memory_space<hbm>>) target(%dma_start3A_839 : memref<125x128xf32, #tpu.memory_space<vmem>>) offsets(%dma_start3A_842 : memref<125xi32, #tpu.memory_space<vmem>>) semaphore(%arg10 : memref<!tpu.dma_semaphore, #tpu.memory_space<semaphore_mem>>)
    %dma_start3A_846 = arith.constant 1 : i32
    %dma_start3A_847 = arith.constant 1 : i32
    %dma_start3A_848 = arith.constant 0 : i32
    %dma_start3A_849 = arith.constant 0 : i32
    %dma_start3A_850 = tpu.memref_slice %arg7[%dma_start3A_847, %dma_start3A_848, %dma_start3A_849] : memref<2x125x128xf32, #tpu.memory_space<vmem>> -> memref<1x125x128xf32, #tpu.memory_space<vmem>>
    %dma_start3A_851 = tpu.memref_squeeze %dma_start3A_850 : memref<1x125x128xf32, #tpu.memory_space<vmem>> -> memref<125x128xf32, #tpu.memory_space<vmem>>
    %dma_start3A_852 = arith.constant 0 : i32
    %dma_start3A_853 = tpu.memref_slice %arg5[%dma_start3A_846, %dma_start3A_852] : memref<40x125xi32, #tpu.memory_space<vmem>> -> memref<1x125xi32, #tpu.memory_space<vmem>>
    %dma_start3A_854 = tpu.memref_squeeze %dma_start3A_853 : memref<1x125xi32, #tpu.memory_space<vmem>> -> memref<125xi32, #tpu.memory_space<vmem>>
    %dma_start3A_855 = arith.constant 0 : i32
    %dma_start3A_856 = arith.constant 0 : i32
    %dma_start3A_857 = tpu.memref_slice %arg2[%dma_start3A_855, %dma_start3A_856] : memref<10000x128xf32, #tpu.memory_space<hbm>> -> memref<10000x128xf32, #tpu.memory_space<hbm>>
    tpu.enqueue_indirect_dma source(%dma_start3A_857 : memref<10000x128xf32, #tpu.memory_space<hbm>>) target(%dma_start3A_851 : memref<125x128xf32, #tpu.memory_space<vmem>>) offsets(%dma_start3A_854 : memref<125xi32, #tpu.memory_space<vmem>>) semaphore(%arg11 : memref<!tpu.dma_semaphore, #tpu.memory_space<semaphore_mem>>)
    %barrier3A = arith.constant 0 : index
    tpu.barrier barrier_id(%barrier3A)
    %mul3A_858 = arith.constant 80 : i32
    %mul3A_859 = arith.muli %add3A, %mul3A_858 : i32
    %add3A_860 = arith.constant 0 : i32
    %add3A_861 = arith.addi %mul3A_859, %add3A_860 : i32
    %scan3A_862 = arith.constant 0 : i32
    %scan3A_863 = arith.constant 0 : i32
    %scan3A_864 = arith.constant 20 : i32
    %scan3A_865 = arith.addi %scan3A_863, %scan3A_864 : i32
    %scan3A_866 = arith.constant 1 : i32
    scf.for %scan3A_935 = %scan3A_863 to %scan3A_865 step %scan3A_866  : i32 {
      %mul3A_936 = arith.constant 2 : i32
      %mul3A_937 = arith.muli %mul3A_936, %scan3A_935 : i32
      %dma_wait3A_938 = arith.constant 0 : i32
      %dma_wait3A_939 = arith.constant 0 : i32
      %dma_wait3A_940 = arith.constant 0 : i32
      %dma_wait3A_941 = tpu.memref_slice %arg7[%dma_wait3A_938, %dma_wait3A_939, %dma_wait3A_940] : memref<2x125x128xf32, #tpu.memory_space<vmem>> -> memref<1x125x128xf32, #tpu.memory_space<vmem>>
      %dma_wait3A_942 = tpu.memref_squeeze %dma_wait3A_941 : memref<1x125x128xf32, #tpu.memory_space<vmem>> -> memref<125x128xf32, #tpu.memory_space<vmem>>
      %dma_wait3A_943 = arith.constant 0 : i32
      %dma_wait3A_944 = tpu.memref_slice %arg5[%mul3A_937, %dma_wait3A_943] : memref<40x125xi32, #tpu.memory_space<vmem>> -> memref<1x125xi32, #tpu.memory_space<vmem>>
      %dma_wait3A_945 = tpu.memref_squeeze %dma_wait3A_944 : memref<1x125xi32, #tpu.memory_space<vmem>> -> memref<125xi32, #tpu.memory_space<vmem>>
      %dma_wait3A_946 = arith.constant 0 : i32
      %dma_wait3A_947 = arith.constant 0 : i32
      %dma_wait3A_948 = tpu.memref_slice %arg2[%dma_wait3A_946, %dma_wait3A_947] : memref<10000x128xf32, #tpu.memory_space<hbm>> -> memref<10000x128xf32, #tpu.memory_space<hbm>>
      tpu.wait_indirect_dma semaphore(%arg10 : memref<!tpu.dma_semaphore, #tpu.memory_space<semaphore_mem>>) src(%dma_wait3A_948 : memref<10000x128xf32, #tpu.memory_space<hbm>>) dst(%dma_wait3A_942 : memref<125x128xf32, #tpu.memory_space<vmem>>)
      %dma_start3A_949 = arith.constant 0 : i32
      %dma_start3A_950 = arith.constant 0 : i32
      %dma_start3A_951 = arith.constant 0 : i32
      %dma_start3A_952 = tpu.memref_slice %arg7[%dma_start3A_949, %dma_start3A_950, %dma_start3A_951] : memref<2x125x128xf32, #tpu.memory_space<vmem>> -> memref<1x125x128xf32, #tpu.memory_space<vmem>>
      %dma_start3A_953 = tpu.memref_squeeze %dma_start3A_952 : memref<1x125x128xf32, #tpu.memory_space<vmem>> -> memref<125x128xf32, #tpu.memory_space<vmem>>
      %dma_start3A_954 = arith.constant 0 : i32
      %dma_start3A_955 = tpu.memref_slice %arg6[%mul3A_937, %dma_start3A_954] : memref<40x125xi32, #tpu.memory_space<vmem>> -> memref<1x125xi32, #tpu.memory_space<vmem>>
      %dma_start3A_956 = tpu.memref_squeeze %dma_start3A_955 : memref<1x125xi32, #tpu.memory_space<vmem>> -> memref<125xi32, #tpu.memory_space<vmem>>
      %dma_start3A_957 = arith.constant 0 : i32
      %dma_start3A_958 = arith.constant 0 : i32
      %dma_start3A_959 = tpu.memref_slice %arg9[%dma_start3A_957, %dma_start3A_958] : memref<10112x128xf32, #tpu.memory_space<vmem_shared>> -> memref<10112x128xf32, #tpu.memory_space<vmem_shared>>
      tpu.enqueue_indirect_dma source(%dma_start3A_953 : memref<125x128xf32, #tpu.memory_space<vmem>>) target(%dma_start3A_959 : memref<10112x128xf32, #tpu.memory_space<vmem_shared>>) offsets(%dma_start3A_956 : memref<125xi32, #tpu.memory_space<vmem>>) semaphore(%arg12 : memref<!tpu.dma_semaphore, #tpu.memory_space<semaphore_mem>>) {add = true}
      %add3A_960 = arith.constant 1 : i32
      %add3A_961 = arith.addi %mul3A_937, %add3A_960 : i32
      %dma_wait3A_962 = arith.constant 1 : i32
      %dma_wait3A_963 = arith.constant 0 : i32
      %dma_wait3A_964 = arith.constant 0 : i32
      %dma_wait3A_965 = tpu.memref_slice %arg7[%dma_wait3A_962, %dma_wait3A_963, %dma_wait3A_964] : memref<2x125x128xf32, #tpu.memory_space<vmem>> -> memref<1x125x128xf32, #tpu.memory_space<vmem>>
      %dma_wait3A_966 = tpu.memref_squeeze %dma_wait3A_965 : memref<1x125x128xf32, #tpu.memory_space<vmem>> -> memref<125x128xf32, #tpu.memory_space<vmem>>
      %dma_wait3A_967 = arith.constant 0 : i32
      %dma_wait3A_968 = tpu.memref_slice %arg5[%add3A_961, %dma_wait3A_967] : memref<40x125xi32, #tpu.memory_space<vmem>> -> memref<1x125xi32, #tpu.memory_space<vmem>>
      %dma_wait3A_969 = tpu.memref_squeeze %dma_wait3A_968 : memref<1x125xi32, #tpu.memory_space<vmem>> -> memref<125xi32, #tpu.memory_space<vmem>>
      %dma_wait3A_970 = arith.constant 0 : i32
      %dma_wait3A_971 = arith.constant 0 : i32
      %dma_wait3A_972 = tpu.memref_slice %arg2[%dma_wait3A_970, %dma_wait3A_971] : memref<10000x128xf32, #tpu.memory_space<hbm>> -> memref<10000x128xf32, #tpu.memory_space<hbm>>
      tpu.wait_indirect_dma semaphore(%arg11 : memref<!tpu.dma_semaphore, #tpu.memory_space<semaphore_mem>>) src(%dma_wait3A_972 : memref<10000x128xf32, #tpu.memory_space<hbm>>) dst(%dma_wait3A_966 : memref<125x128xf32, #tpu.memory_space<vmem>>)
      %dma_wait3A_973 = arith.constant 0 : i32
      %dma_wait3A_974 = arith.constant 0 : i32
      %dma_wait3A_975 = arith.constant 0 : i32
      %dma_wait3A_976 = tpu.memref_slice %arg7[%dma_wait3A_973, %dma_wait3A_974, %dma_wait3A_975] : memref<2x125x128xf32, #tpu.memory_space<vmem>> -> memref<1x125x128xf32, #tpu.memory_space<vmem>>
      %dma_wait3A_977 = tpu.memref_squeeze %dma_wait3A_976 : memref<1x125x128xf32, #tpu.memory_space<vmem>> -> memref<125x128xf32, #tpu.memory_space<vmem>>
      %dma_wait3A_978 = arith.constant 0 : i32
      %dma_wait3A_979 = tpu.memref_slice %arg6[%mul3A_937, %dma_wait3A_978] : memref<40x125xi32, #tpu.memory_space<vmem>> -> memref<1x125xi32, #tpu.memory_space<vmem>>
      %dma_wait3A_980 = tpu.memref_squeeze %dma_wait3A_979 : memref<1x125xi32, #tpu.memory_space<vmem>> -> memref<125xi32, #tpu.memory_space<vmem>>
      %dma_wait3A_981 = arith.constant 0 : i32
      %dma_wait3A_982 = arith.constant 0 : i32
      %dma_wait3A_983 = tpu.memref_slice %arg9[%dma_wait3A_981, %dma_wait3A_982] : memref<10112x128xf32, #tpu.memory_space<vmem_shared>> -> memref<10112x128xf32, #tpu.memory_space<vmem_shared>>
      tpu.wait_indirect_dma semaphore(%arg12 : memref<!tpu.dma_semaphore, #tpu.memory_space<semaphore_mem>>) src(%dma_wait3A_977 : memref<125x128xf32, #tpu.memory_space<vmem>>) dst(%dma_wait3A_983 : memref<10112x128xf32, #tpu.memory_space<vmem_shared>>)
      %lt3A = arith.constant 19 : i32
      %lt3A_984 = arith.cmpi slt, %scan3A_935, %lt3A : i32
      %convert_element_type3A = arith.extui %lt3A_984 : i1 to i32
      %cond3A = arith.constant 0 : i32
      %cond3A_985 = arith.cmpi ne, %convert_element_type3A, %cond3A : i32
      scf.if %cond3A_985 {
        %add3A_1017 = arith.constant 2 : i32
        %add3A_1018 = arith.addi %mul3A_937, %add3A_1017 : i32
        %dma_start3A_1019 = arith.constant 0 : i32
        %dma_start3A_1020 = arith.constant 0 : i32
        %dma_start3A_1021 = arith.constant 0 : i32
        %dma_start3A_1022 = tpu.memref_slice %arg7[%dma_start3A_1019, %dma_start3A_1020, %dma_start3A_1021] : memref<2x125x128xf32, #tpu.memory_space<vmem>> -> memref<1x125x128xf32, #tpu.memory_space<vmem>>
        %dma_start3A_1023 = tpu.memref_squeeze %dma_start3A_1022 : memref<1x125x128xf32, #tpu.memory_space<vmem>> -> memref<125x128xf32, #tpu.memory_space<vmem>>
        %dma_start3A_1024 = arith.constant 0 : i32
        %dma_start3A_1025 = tpu.memref_slice %arg5[%add3A_1018, %dma_start3A_1024] : memref<40x125xi32, #tpu.memory_space<vmem>> -> memref<1x125xi32, #tpu.memory_space<vmem>>
        %dma_start3A_1026 = tpu.memref_squeeze %dma_start3A_1025 : memref<1x125xi32, #tpu.memory_space<vmem>> -> memref<125xi32, #tpu.memory_space<vmem>>
        %dma_start3A_1027 = arith.constant 0 : i32
        %dma_start3A_1028 = arith.constant 0 : i32
        %dma_start3A_1029 = tpu.memref_slice %arg2[%dma_start3A_1027, %dma_start3A_1028] : memref<10000x128xf32, #tpu.memory_space<hbm>> -> memref<10000x128xf32, #tpu.memory_space<hbm>>
        tpu.enqueue_indirect_dma source(%dma_start3A_1029 : memref<10000x128xf32, #tpu.memory_space<hbm>>) target(%dma_start3A_1023 : memref<125x128xf32, #tpu.memory_space<vmem>>) offsets(%dma_start3A_1026 : memref<125xi32, #tpu.memory_space<vmem>>) semaphore(%arg10 : memref<!tpu.dma_semaphore, #tpu.memory_space<semaphore_mem>>)
      } else {
      }
      %add3A_986 = arith.constant 1 : i32
      %add3A_987 = arith.addi %mul3A_937, %add3A_986 : i32
      %dma_start3A_988 = arith.constant 1 : i32
      %dma_start3A_989 = arith.constant 0 : i32
      %dma_start3A_990 = arith.constant 0 : i32
      %dma_start3A_991 = tpu.memref_slice %arg7[%dma_start3A_988, %dma_start3A_989, %dma_start3A_990] : memref<2x125x128xf32, #tpu.memory_space<vmem>> -> memref<1x125x128xf32, #tpu.memory_space<vmem>>
      %dma_start3A_992 = tpu.memref_squeeze %dma_start3A_991 : memref<1x125x128xf32, #tpu.memory_space<vmem>> -> memref<125x128xf32, #tpu.memory_space<vmem>>
      %dma_start3A_993 = arith.constant 0 : i32
      %dma_start3A_994 = tpu.memref_slice %arg6[%add3A_987, %dma_start3A_993] : memref<40x125xi32, #tpu.memory_space<vmem>> -> memref<1x125xi32, #tpu.memory_space<vmem>>
      %dma_start3A_995 = tpu.memref_squeeze %dma_start3A_994 : memref<1x125xi32, #tpu.memory_space<vmem>> -> memref<125xi32, #tpu.memory_space<vmem>>
      %dma_start3A_996 = arith.constant 0 : i32
      %dma_start3A_997 = arith.constant 0 : i32
      %dma_start3A_998 = tpu.memref_slice %arg9[%dma_start3A_996, %dma_start3A_997] : memref<10112x128xf32, #tpu.memory_space<vmem_shared>> -> memref<10112x128xf32, #tpu.memory_space<vmem_shared>>
      tpu.enqueue_indirect_dma source(%dma_start3A_992 : memref<125x128xf32, #tpu.memory_space<vmem>>) target(%dma_start3A_998 : memref<10112x128xf32, #tpu.memory_space<vmem_shared>>) offsets(%dma_start3A_995 : memref<125xi32, #tpu.memory_space<vmem>>) semaphore(%arg13 : memref<!tpu.dma_semaphore, #tpu.memory_space<semaphore_mem>>) {add = true}
      %add3A_999 = arith.constant 1 : i32
      %add3A_1000 = arith.addi %mul3A_937, %add3A_999 : i32
      %dma_wait3A_1001 = arith.constant 1 : i32
      %dma_wait3A_1002 = arith.constant 0 : i32
      %dma_wait3A_1003 = arith.constant 0 : i32
      %dma_wait3A_1004 = tpu.memref_slice %arg7[%dma_wait3A_1001, %dma_wait3A_1002, %dma_wait3A_1003] : memref<2x125x128xf32, #tpu.memory_space<vmem>> -> memref<1x125x128xf32, #tpu.memory_space<vmem>>
      %dma_wait3A_1005 = tpu.memref_squeeze %dma_wait3A_1004 : memref<1x125x128xf32, #tpu.memory_space<vmem>> -> memref<125x128xf32, #tpu.memory_space<vmem>>
      %dma_wait3A_1006 = arith.constant 0 : i32
      %dma_wait3A_1007 = tpu.memref_slice %arg6[%add3A_1000, %dma_wait3A_1006] : memref<40x125xi32, #tpu.memory_space<vmem>> -> memref<1x125xi32, #tpu.memory_space<vmem>>
      %dma_wait3A_1008 = tpu.memref_squeeze %dma_wait3A_1007 : memref<1x125xi32, #tpu.memory_space<vmem>> -> memref<125xi32, #tpu.memory_space<vmem>>
      %dma_wait3A_1009 = arith.constant 0 : i32
      %dma_wait3A_1010 = arith.constant 0 : i32
      %dma_wait3A_1011 = tpu.memref_slice %arg9[%dma_wait3A_1009, %dma_wait3A_1010] : memref<10112x128xf32, #tpu.memory_space<vmem_shared>> -> memref<10112x128xf32, #tpu.memory_space<vmem_shared>>
      tpu.wait_indirect_dma semaphore(%arg13 : memref<!tpu.dma_semaphore, #tpu.memory_space<semaphore_mem>>) src(%dma_wait3A_1005 : memref<125x128xf32, #tpu.memory_space<vmem>>) dst(%dma_wait3A_1011 : memref<10112x128xf32, #tpu.memory_space<vmem_shared>>)
      %lt3A_1012 = arith.constant 19 : i32
      %lt3A_1013 = arith.cmpi slt, %scan3A_935, %lt3A_1012 : i32
      %convert_element_type3A_1014 = arith.extui %lt3A_1013 : i1 to i32
      %cond3A_1015 = arith.constant 0 : i32
      %cond3A_1016 = arith.cmpi ne, %convert_element_type3A_1014, %cond3A_1015 : i32
      scf.if %cond3A_1016 {
        %add3A_1017 = arith.constant 3 : i32
        %add3A_1018 = arith.addi %mul3A_937, %add3A_1017 : i32
        %dma_start3A_1019 = arith.constant 1 : i32
        %dma_start3A_1020 = arith.constant 0 : i32
        %dma_start3A_1021 = arith.constant 0 : i32
        %dma_start3A_1022 = tpu.memref_slice %arg7[%dma_start3A_1019, %dma_start3A_1020, %dma_start3A_1021] : memref<2x125x128xf32, #tpu.memory_space<vmem>> -> memref<1x125x128xf32, #tpu.memory_space<vmem>>
        %dma_start3A_1023 = tpu.memref_squeeze %dma_start3A_1022 : memref<1x125x128xf32, #tpu.memory_space<vmem>> -> memref<125x128xf32, #tpu.memory_space<vmem>>
        %dma_start3A_1024 = arith.constant 0 : i32
        %dma_start3A_1025 = tpu.memref_slice %arg5[%add3A_1018, %dma_start3A_1024] : memref<40x125xi32, #tpu.memory_space<vmem>> -> memref<1x125xi32, #tpu.memory_space<vmem>>
        %dma_start3A_1026 = tpu.memref_squeeze %dma_start3A_1025 : memref<1x125xi32, #tpu.memory_space<vmem>> -> memref<125xi32, #tpu.memory_space<vmem>>
        %dma_start3A_1027 = arith.constant 0 : i32
        %dma_start3A_1028 = arith.constant 0 : i32
        %dma_start3A_1029 = tpu.memref_slice %arg2[%dma_start3A_1027, %dma_start3A_1028] : memref<10000x128xf32, #tpu.memory_space<hbm>> -> memref<10000x128xf32, #tpu.memory_space<hbm>>
        tpu.enqueue_indirect_dma source(%dma_start3A_1029 : memref<10000x128xf32, #tpu.memory_space<hbm>>) target(%dma_start3A_1023 : memref<125x128xf32, #tpu.memory_space<vmem>>) offsets(%dma_start3A_1026 : memref<125xi32, #tpu.memory_space<vmem>>) semaphore(%arg11 : memref<!tpu.dma_semaphore, #tpu.memory_space<semaphore_mem>>)
      } else {
      }
    }
    %scan3A_867 = arith.constant 20 : i32
    %mul3A_868 = arith.constant 80 : i32
    %mul3A_869 = arith.muli %add3A, %mul3A_868 : i32
    %add3A_870 = arith.constant 40 : i32
    %add3A_871 = arith.addi %mul3A_869, %add3A_870 : i32
    %dma_start3A_872 = arith.constant 0 : i32
    %dma_start3A_873 = arith.constant 0 : i32
    %dma_start3A_874 = tpu.memref_slice %arg3[%dma_start3A_872, %add3A_871, %dma_start3A_873] : memref<2x2560x125xi32, #tpu.memory_space<hbm>> -> memref<1x40x125xi32, #tpu.memory_space<hbm>>
    %dma_start3A_875 = tpu.memref_squeeze %dma_start3A_874 : memref<1x40x125xi32, #tpu.memory_space<hbm>> -> memref<40x125xi32, #tpu.memory_space<hbm>>
    %dma_start3A_876 = arith.constant 0 : i32
    %dma_start3A_877 = tpu.memref_slice %arg3[%dma_start3A_872, %add3A_871, %dma_start3A_876] : memref<2x2560x125xi32, #tpu.memory_space<hbm>> -> memref<1x40x125xi32, #tpu.memory_space<hbm>>
    %dma_start3A_878 = tpu.memref_squeeze %dma_start3A_877 : memref<1x40x125xi32, #tpu.memory_space<hbm>> -> memref<40x125xi32, #tpu.memory_space<hbm>>
    tpu.enqueue_dma source(%dma_start3A_878 : memref<40x125xi32, #tpu.memory_space<hbm>>) target(%arg5 : memref<40x125xi32, #tpu.memory_space<vmem>>) target_semaphore(%arg12 : memref<!tpu.dma_semaphore, #tpu.memory_space<semaphore_mem>>)
    %dma_start3A_879 = arith.constant 1 : i32
    %dma_start3A_880 = arith.constant 0 : i32
    %dma_start3A_881 = tpu.memref_slice %arg3[%dma_start3A_879, %add3A_871, %dma_start3A_880] : memref<2x2560x125xi32, #tpu.memory_space<hbm>> -> memref<1x40x125xi32, #tpu.memory_space<hbm>>
    %dma_start3A_882 = tpu.memref_squeeze %dma_start3A_881 : memref<1x40x125xi32, #tpu.memory_space<hbm>> -> memref<40x125xi32, #tpu.memory_space<hbm>>
    %dma_start3A_883 = arith.constant 0 : i32
    %dma_start3A_884 = tpu.memref_slice %arg3[%dma_start3A_879, %add3A_871, %dma_start3A_883] : memref<2x2560x125xi32, #tpu.memory_space<hbm>> -> memref<1x40x125xi32, #tpu.memory_space<hbm>>
    %dma_start3A_885 = tpu.memref_squeeze %dma_start3A_884 : memref<1x40x125xi32, #tpu.memory_space<hbm>> -> memref<40x125xi32, #tpu.memory_space<hbm>>
    tpu.enqueue_dma source(%dma_start3A_885 : memref<40x125xi32, #tpu.memory_space<hbm>>) target(%arg6 : memref<40x125xi32, #tpu.memory_space<vmem>>) target_semaphore(%arg13 : memref<!tpu.dma_semaphore, #tpu.memory_space<semaphore_mem>>)
    %dma_wait3A_886 = arith.constant 0 : i32
    %dma_wait3A_887 = arith.constant 0 : i32
    %dma_wait3A_888 = tpu.memref_slice %arg3[%dma_wait3A_886, %add3A_871, %dma_wait3A_887] : memref<2x2560x125xi32, #tpu.memory_space<hbm>> -> memref<1x40x125xi32, #tpu.memory_space<hbm>>
    %dma_wait3A_889 = tpu.memref_squeeze %dma_wait3A_888 : memref<1x40x125xi32, #tpu.memory_space<hbm>> -> memref<40x125xi32, #tpu.memory_space<hbm>>
    %dma_wait3A_890 = arith.constant 0 : i32
    %dma_wait3A_891 = tpu.memref_slice %arg3[%dma_wait3A_886, %add3A_871, %dma_wait3A_890] : memref<2x2560x125xi32, #tpu.memory_space<hbm>> -> memref<1x40x125xi32, #tpu.memory_space<hbm>>
    %dma_wait3A_892 = tpu.memref_squeeze %dma_wait3A_891 : memref<1x40x125xi32, #tpu.memory_space<hbm>> -> memref<40x125xi32, #tpu.memory_space<hbm>>
    tpu.wait_dma2 semaphore(%arg12 : memref<!tpu.dma_semaphore, #tpu.memory_space<semaphore_mem>>) src(%dma_wait3A_892 : memref<40x125xi32, #tpu.memory_space<hbm>>) dst(%arg5 : memref<40x125xi32, #tpu.memory_space<vmem>>)
    %dma_wait3A_893 = arith.constant 1 : i32
    %dma_wait3A_894 = arith.constant 0 : i32
    %dma_wait3A_895 = tpu.memref_slice %arg3[%dma_wait3A_893, %add3A_871, %dma_wait3A_894] : memref<2x2560x125xi32, #tpu.memory_space<hbm>> -> memref<1x40x125xi32, #tpu.memory_space<hbm>>
    %dma_wait3A_896 = tpu.memref_squeeze %dma_wait3A_895 : memref<1x40x125xi32, #tpu.memory_space<hbm>> -> memref<40x125xi32, #tpu.memory_space<hbm>>
    %dma_wait3A_897 = arith.constant 0 : i32
    %dma_wait3A_898 = tpu.memref_slice %arg3[%dma_wait3A_893, %add3A_871, %dma_wait3A_897] : memref<2x2560x125xi32, #tpu.memory_space<hbm>> -> memref<1x40x125xi32, #tpu.memory_space<hbm>>
    %dma_wait3A_899 = tpu.memref_squeeze %dma_wait3A_898 : memref<1x40x125xi32, #tpu.memory_space<hbm>> -> memref<40x125xi32, #tpu.memory_space<hbm>>
    tpu.wait_dma2 semaphore(%arg13 : memref<!tpu.dma_semaphore, #tpu.memory_space<semaphore_mem>>) src(%dma_wait3A_899 : memref<40x125xi32, #tpu.memory_space<hbm>>) dst(%arg6 : memref<40x125xi32, #tpu.memory_space<vmem>>)
    %dma_start3A_900 = arith.constant 0 : i32
    %dma_start3A_901 = arith.constant 0 : i32
    %dma_start3A_902 = arith.constant 0 : i32
    %dma_start3A_903 = arith.constant 0 : i32
    %dma_start3A_904 = tpu.memref_slice %arg7[%dma_start3A_901, %dma_start3A_902, %dma_start3A_903] : memref<2x125x128xf32, #tpu.memory_space<vmem>> -> memref<1x125x128xf32, #tpu.memory_space<vmem>>
    %dma_start3A_905 = tpu.memref_squeeze %dma_start3A_904 : memref<1x125x128xf32, #tpu.memory_space<vmem>> -> memref<125x128xf32, #tpu.memory_space<vmem>>
    %dma_start3A_906 = arith.constant 0 : i32
    %dma_start3A_907 = tpu.memref_slice %arg5[%dma_start3A_900, %dma_start3A_906] : memref<40x125xi32, #tpu.memory_space<vmem>> -> memref<1x125xi32, #tpu.memory_space<vmem>>
    %dma_start3A_908 = tpu.memref_squeeze %dma_start3A_907 : memref<1x125xi32, #tpu.memory_space<vmem>> -> memref<125xi32, #tpu.memory_space<vmem>>
    %dma_start3A_909 = arith.constant 0 : i32
    %dma_start3A_910 = arith.constant 0 : i32
    %dma_start3A_911 = tpu.memref_slice %arg2[%dma_start3A_909, %dma_start3A_910] : memref<10000x128xf32, #tpu.memory_space<hbm>> -> memref<10000x128xf32, #tpu.memory_space<hbm>>
    tpu.enqueue_indirect_dma source(%dma_start3A_911 : memref<10000x128xf32, #tpu.memory_space<hbm>>) target(%dma_start3A_905 : memref<125x128xf32, #tpu.memory_space<vmem>>) offsets(%dma_start3A_908 : memref<125xi32, #tpu.memory_space<vmem>>) semaphore(%arg10 : memref<!tpu.dma_semaphore, #tpu.memory_space<semaphore_mem>>)
    %dma_start3A_912 = arith.constant 1 : i32
    %dma_start3A_913 = arith.constant 1 : i32
    %dma_start3A_914 = arith.constant 0 : i32
    %dma_start3A_915 = arith.constant 0 : i32
    %dma_start3A_916 = tpu.memref_slice %arg7[%dma_start3A_913, %dma_start3A_914, %dma_start3A_915] : memref<2x125x128xf32, #tpu.memory_space<vmem>> -> memref<1x125x128xf32, #tpu.memory_space<vmem>>
    %dma_start3A_917 = tpu.memref_squeeze %dma_start3A_916 : memref<1x125x128xf32, #tpu.memory_space<vmem>> -> memref<125x128xf32, #tpu.memory_space<vmem>>
    %dma_start3A_918 = arith.constant 0 : i32
    %dma_start3A_919 = tpu.memref_slice %arg5[%dma_start3A_912, %dma_start3A_918] : memref<40x125xi32, #tpu.memory_space<vmem>> -> memref<1x125xi32, #tpu.memory_space<vmem>>
    %dma_start3A_920 = tpu.memref_squeeze %dma_start3A_919 : memref<1x125xi32, #tpu.memory_space<vmem>> -> memref<125xi32, #tpu.memory_space<vmem>>
    %dma_start3A_921 = arith.constant 0 : i32
    %dma_start3A_922 = arith.constant 0 : i32
    %dma_start3A_923 = tpu.memref_slice %arg2[%dma_start3A_921, %dma_start3A_922] : memref<10000x128xf32, #tpu.memory_space<hbm>> -> memref<10000x128xf32, #tpu.memory_space<hbm>>
    tpu.enqueue_indirect_dma source(%dma_start3A_923 : memref<10000x128xf32, #tpu.memory_space<hbm>>) target(%dma_start3A_917 : memref<125x128xf32, #tpu.memory_space<vmem>>) offsets(%dma_start3A_920 : memref<125xi32, #tpu.memory_space<vmem>>) semaphore(%arg11 : memref<!tpu.dma_semaphore, #tpu.memory_space<semaphore_mem>>)
    %scan3A_924 = arith.constant 0 : i32
    %scan3A_925 = arith.constant 0 : i32
    %scan3A_926 = arith.constant 20 : i32
    %scan3A_927 = arith.addi %scan3A_925, %scan3A_926 : i32
    %scan3A_928 = arith.constant 1 : i32
    scf.for %scan3A_935 = %scan3A_925 to %scan3A_927 step %scan3A_928  : i32 {
      %mul3A_936 = arith.constant 2 : i32
      %mul3A_937 = arith.muli %mul3A_936, %scan3A_935 : i32
      %dma_wait3A_938 = arith.constant 0 : i32
      %dma_wait3A_939 = arith.constant 0 : i32
      %dma_wait3A_940 = arith.constant 0 : i32
      %dma_wait3A_941 = tpu.memref_slice %arg7[%dma_wait3A_938, %dma_wait3A_939, %dma_wait3A_940] : memref<2x125x128xf32, #tpu.memory_space<vmem>> -> memref<1x125x128xf32, #tpu.memory_space<vmem>>
      %dma_wait3A_942 = tpu.memref_squeeze %dma_wait3A_941 : memref<1x125x128xf32, #tpu.memory_space<vmem>> -> memref<125x128xf32, #tpu.memory_space<vmem>>
      %dma_wait3A_943 = arith.constant 0 : i32
      %dma_wait3A_944 = tpu.memref_slice %arg5[%mul3A_937, %dma_wait3A_943] : memref<40x125xi32, #tpu.memory_space<vmem>> -> memref<1x125xi32, #tpu.memory_space<vmem>>
      %dma_wait3A_945 = tpu.memref_squeeze %dma_wait3A_944 : memref<1x125xi32, #tpu.memory_space<vmem>> -> memref<125xi32, #tpu.memory_space<vmem>>
      %dma_wait3A_946 = arith.constant 0 : i32
      %dma_wait3A_947 = arith.constant 0 : i32
      %dma_wait3A_948 = tpu.memref_slice %arg2[%dma_wait3A_946, %dma_wait3A_947] : memref<10000x128xf32, #tpu.memory_space<hbm>> -> memref<10000x128xf32, #tpu.memory_space<hbm>>
      tpu.wait_indirect_dma semaphore(%arg10 : memref<!tpu.dma_semaphore, #tpu.memory_space<semaphore_mem>>) src(%dma_wait3A_948 : memref<10000x128xf32, #tpu.memory_space<hbm>>) dst(%dma_wait3A_942 : memref<125x128xf32, #tpu.memory_space<vmem>>)
      %dma_start3A_949 = arith.constant 0 : i32
      %dma_start3A_950 = arith.constant 0 : i32
      %dma_start3A_951 = arith.constant 0 : i32
      %dma_start3A_952 = tpu.memref_slice %arg7[%dma_start3A_949, %dma_start3A_950, %dma_start3A_951] : memref<2x125x128xf32, #tpu.memory_space<vmem>> -> memref<1x125x128xf32, #tpu.memory_space<vmem>>
      %dma_start3A_953 = tpu.memref_squeeze %dma_start3A_952 : memref<1x125x128xf32, #tpu.memory_space<vmem>> -> memref<125x128xf32, #tpu.memory_space<vmem>>
      %dma_start3A_954 = arith.constant 0 : i32
      %dma_start3A_955 = tpu.memref_slice %arg6[%mul3A_937, %dma_start3A_954] : memref<40x125xi32, #tpu.memory_space<vmem>> -> memref<1x125xi32, #tpu.memory_space<vmem>>
      %dma_start3A_956 = tpu.memref_squeeze %dma_start3A_955 : memref<1x125xi32, #tpu.memory_space<vmem>> -> memref<125xi32, #tpu.memory_space<vmem>>
      %dma_start3A_957 = arith.constant 0 : i32
      %dma_start3A_958 = arith.constant 0 : i32
      %dma_start3A_959 = tpu.memref_slice %arg9[%dma_start3A_957, %dma_start3A_958] : memref<10112x128xf32, #tpu.memory_space<vmem_shared>> -> memref<10112x128xf32, #tpu.memory_space<vmem_shared>>
      tpu.enqueue_indirect_dma source(%dma_start3A_953 : memref<125x128xf32, #tpu.memory_space<vmem>>) target(%dma_start3A_959 : memref<10112x128xf32, #tpu.memory_space<vmem_shared>>) offsets(%dma_start3A_956 : memref<125xi32, #tpu.memory_space<vmem>>) semaphore(%arg12 : memref<!tpu.dma_semaphore, #tpu.memory_space<semaphore_mem>>) {add = true}
      %add3A_960 = arith.constant 1 : i32
      %add3A_961 = arith.addi %mul3A_937, %add3A_960 : i32
      %dma_wait3A_962 = arith.constant 1 : i32
      %dma_wait3A_963 = arith.constant 0 : i32
      %dma_wait3A_964 = arith.constant 0 : i32
      %dma_wait3A_965 = tpu.memref_slice %arg7[%dma_wait3A_962, %dma_wait3A_963, %dma_wait3A_964] : memref<2x125x128xf32, #tpu.memory_space<vmem>> -> memref<1x125x128xf32, #tpu.memory_space<vmem>>
      %dma_wait3A_966 = tpu.memref_squeeze %dma_wait3A_965 : memref<1x125x128xf32, #tpu.memory_space<vmem>> -> memref<125x128xf32, #tpu.memory_space<vmem>>
      %dma_wait3A_967 = arith.constant 0 : i32
      %dma_wait3A_968 = tpu.memref_slice %arg5[%add3A_961, %dma_wait3A_967] : memref<40x125xi32, #tpu.memory_space<vmem>> -> memref<1x125xi32, #tpu.memory_space<vmem>>
      %dma_wait3A_969 = tpu.memref_squeeze %dma_wait3A_968 : memref<1x125xi32, #tpu.memory_space<vmem>> -> memref<125xi32, #tpu.memory_space<vmem>>
      %dma_wait3A_970 = arith.constant 0 : i32
      %dma_wait3A_971 = arith.constant 0 : i32
      %dma_wait3A_972 = tpu.memref_slice %arg2[%dma_wait3A_970, %dma_wait3A_971] : memref<10000x128xf32, #tpu.memory_space<hbm>> -> memref<10000x128xf32, #tpu.memory_space<hbm>>
      tpu.wait_indirect_dma semaphore(%arg11 : memref<!tpu.dma_semaphore, #tpu.memory_space<semaphore_mem>>) src(%dma_wait3A_972 : memref<10000x128xf32, #tpu.memory_space<hbm>>) dst(%dma_wait3A_966 : memref<125x128xf32, #tpu.memory_space<vmem>>)
      %dma_wait3A_973 = arith.constant 0 : i32
      %dma_wait3A_974 = arith.constant 0 : i32
      %dma_wait3A_975 = arith.constant 0 : i32
      %dma_wait3A_976 = tpu.memref_slice %arg7[%dma_wait3A_973, %dma_wait3A_974, %dma_wait3A_975] : memref<2x125x128xf32, #tpu.memory_space<vmem>> -> memref<1x125x128xf32, #tpu.memory_space<vmem>>
      %dma_wait3A_977 = tpu.memref_squeeze %dma_wait3A_976 : memref<1x125x128xf32, #tpu.memory_space<vmem>> -> memref<125x128xf32, #tpu.memory_space<vmem>>
      %dma_wait3A_978 = arith.constant 0 : i32
      %dma_wait3A_979 = tpu.memref_slice %arg6[%mul3A_937, %dma_wait3A_978] : memref<40x125xi32, #tpu.memory_space<vmem>> -> memref<1x125xi32, #tpu.memory_space<vmem>>
      %dma_wait3A_980 = tpu.memref_squeeze %dma_wait3A_979 : memref<1x125xi32, #tpu.memory_space<vmem>> -> memref<125xi32, #tpu.memory_space<vmem>>
      %dma_wait3A_981 = arith.constant 0 : i32
      %dma_wait3A_982 = arith.constant 0 : i32
      %dma_wait3A_983 = tpu.memref_slice %arg9[%dma_wait3A_981, %dma_wait3A_982] : memref<10112x128xf32, #tpu.memory_space<vmem_shared>> -> memref<10112x128xf32, #tpu.memory_space<vmem_shared>>
      tpu.wait_indirect_dma semaphore(%arg12 : memref<!tpu.dma_semaphore, #tpu.memory_space<semaphore_mem>>) src(%dma_wait3A_977 : memref<125x128xf32, #tpu.memory_space<vmem>>) dst(%dma_wait3A_983 : memref<10112x128xf32, #tpu.memory_space<vmem_shared>>)
      %lt3A = arith.constant 19 : i32
      %lt3A_984 = arith.cmpi slt, %scan3A_935, %lt3A : i32
      %convert_element_type3A = arith.extui %lt3A_984 : i1 to i32
      %cond3A = arith.constant 0 : i32
      %cond3A_985 = arith.cmpi ne, %convert_element_type3A, %cond3A : i32
      scf.if %cond3A_985 {
        %add3A_1017 = arith.constant 2 : i32
        %add3A_1018 = arith.addi %mul3A_937, %add3A_1017 : i32
        %dma_start3A_1019 = arith.constant 0 : i32
        %dma_start3A_1020 = arith.constant 0 : i32
        %dma_start3A_1021 = arith.constant 0 : i32
        %dma_start3A_1022 = tpu.memref_slice %arg7[%dma_start3A_1019, %dma_start3A_1020, %dma_start3A_1021] : memref<2x125x128xf32, #tpu.memory_space<vmem>> -> memref<1x125x128xf32, #tpu.memory_space<vmem>>
        %dma_start3A_1023 = tpu.memref_squeeze %dma_start3A_1022 : memref<1x125x128xf32, #tpu.memory_space<vmem>> -> memref<125x128xf32, #tpu.memory_space<vmem>>
        %dma_start3A_1024 = arith.constant 0 : i32
        %dma_start3A_1025 = tpu.memref_slice %arg5[%add3A_1018, %dma_start3A_1024] : memref<40x125xi32, #tpu.memory_space<vmem>> -> memref<1x125xi32, #tpu.memory_space<vmem>>
        %dma_start3A_1026 = tpu.memref_squeeze %dma_start3A_1025 : memref<1x125xi32, #tpu.memory_space<vmem>> -> memref<125xi32, #tpu.memory_space<vmem>>
        %dma_start3A_1027 = arith.constant 0 : i32
        %dma_start3A_1028 = arith.constant 0 : i32
        %dma_start3A_1029 = tpu.memref_slice %arg2[%dma_start3A_1027, %dma_start3A_1028] : memref<10000x128xf32, #tpu.memory_space<hbm>> -> memref<10000x128xf32, #tpu.memory_space<hbm>>
        tpu.enqueue_indirect_dma source(%dma_start3A_1029 : memref<10000x128xf32, #tpu.memory_space<hbm>>) target(%dma_start3A_1023 : memref<125x128xf32, #tpu.memory_space<vmem>>) offsets(%dma_start3A_1026 : memref<125xi32, #tpu.memory_space<vmem>>) semaphore(%arg10 : memref<!tpu.dma_semaphore, #tpu.memory_space<semaphore_mem>>)
      } else {
      }
      %add3A_986 = arith.constant 1 : i32
      %add3A_987 = arith.addi %mul3A_937, %add3A_986 : i32
      %dma_start3A_988 = arith.constant 1 : i32
      %dma_start3A_989 = arith.constant 0 : i32
      %dma_start3A_990 = arith.constant 0 : i32
      %dma_start3A_991 = tpu.memref_slice %arg7[%dma_start3A_988, %dma_start3A_989, %dma_start3A_990] : memref<2x125x128xf32, #tpu.memory_space<vmem>> -> memref<1x125x128xf32, #tpu.memory_space<vmem>>
      %dma_start3A_992 = tpu.memref_squeeze %dma_start3A_991 : memref<1x125x128xf32, #tpu.memory_space<vmem>> -> memref<125x128xf32, #tpu.memory_space<vmem>>
      %dma_start3A_993 = arith.constant 0 : i32
      %dma_start3A_994 = tpu.memref_slice %arg6[%add3A_987, %dma_start3A_993] : memref<40x125xi32, #tpu.memory_space<vmem>> -> memref<1x125xi32, #tpu.memory_space<vmem>>
      %dma_start3A_995 = tpu.memref_squeeze %dma_start3A_994 : memref<1x125xi32, #tpu.memory_space<vmem>> -> memref<125xi32, #tpu.memory_space<vmem>>
      %dma_start3A_996 = arith.constant 0 : i32
      %dma_start3A_997 = arith.constant 0 : i32
      %dma_start3A_998 = tpu.memref_slice %arg9[%dma_start3A_996, %dma_start3A_997] : memref<10112x128xf32, #tpu.memory_space<vmem_shared>> -> memref<10112x128xf32, #tpu.memory_space<vmem_shared>>
      tpu.enqueue_indirect_dma source(%dma_start3A_992 : memref<125x128xf32, #tpu.memory_space<vmem>>) target(%dma_start3A_998 : memref<10112x128xf32, #tpu.memory_space<vmem_shared>>) offsets(%dma_start3A_995 : memref<125xi32, #tpu.memory_space<vmem>>) semaphore(%arg13 : memref<!tpu.dma_semaphore, #tpu.memory_space<semaphore_mem>>) {add = true}
      %add3A_999 = arith.constant 1 : i32
      %add3A_1000 = arith.addi %mul3A_937, %add3A_999 : i32
      %dma_wait3A_1001 = arith.constant 1 : i32
      %dma_wait3A_1002 = arith.constant 0 : i32
      %dma_wait3A_1003 = arith.constant 0 : i32
      %dma_wait3A_1004 = tpu.memref_slice %arg7[%dma_wait3A_1001, %dma_wait3A_1002, %dma_wait3A_1003] : memref<2x125x128xf32, #tpu.memory_space<vmem>> -> memref<1x125x128xf32, #tpu.memory_space<vmem>>
      %dma_wait3A_1005 = tpu.memref_squeeze %dma_wait3A_1004 : memref<1x125x128xf32, #tpu.memory_space<vmem>> -> memref<125x128xf32, #tpu.memory_space<vmem>>
      %dma_wait3A_1006 = arith.constant 0 : i32
      %dma_wait3A_1007 = tpu.memref_slice %arg6[%add3A_1000, %dma_wait3A_1006] : memref<40x125xi32, #tpu.memory_space<vmem>> -> memref<1x125xi32, #tpu.memory_space<vmem>>
      %dma_wait3A_1008 = tpu.memref_squeeze %dma_wait3A_1007 : memref<1x125xi32, #tpu.memory_space<vmem>> -> memref<125xi32, #tpu.memory_space<vmem>>
      %dma_wait3A_1009 = arith.constant 0 : i32
      %dma_wait3A_1010 = arith.constant 0 : i32
      %dma_wait3A_1011 = tpu.memref_slice %arg9[%dma_wait3A_1009, %dma_wait3A_1010] : memref<10112x128xf32, #tpu.memory_space<vmem_shared>> -> memref<10112x128xf32, #tpu.memory_space<vmem_shared>>
      tpu.wait_indirect_dma semaphore(%arg13 : memref<!tpu.dma_semaphore, #tpu.memory_space<semaphore_mem>>) src(%dma_wait3A_1005 : memref<125x128xf32, #tpu.memory_space<vmem>>) dst(%dma_wait3A_1011 : memref<10112x128xf32, #tpu.memory_space<vmem_shared>>)
      %lt3A_1012 = arith.constant 19 : i32
      %lt3A_1013 = arith.cmpi slt, %scan3A_935, %lt3A_1012 : i32
      %convert_element_type3A_1014 = arith.extui %lt3A_1013 : i1 to i32
      %cond3A_1015 = arith.constant 0 : i32
      %cond3A_1016 = arith.cmpi ne, %convert_element_type3A_1014, %cond3A_1015 : i32
      scf.if %cond3A_1016 {
        %add3A_1017 = arith.constant 3 : i32
        %add3A_1018 = arith.addi %mul3A_937, %add3A_1017 : i32
        %dma_start3A_1019 = arith.constant 1 : i32
        %dma_start3A_1020 = arith.constant 0 : i32
        %dma_start3A_1021 = arith.constant 0 : i32
        %dma_start3A_1022 = tpu.memref_slice %arg7[%dma_start3A_1019, %dma_start3A_1020, %dma_start3A_1021] : memref<2x125x128xf32, #tpu.memory_space<vmem>> -> memref<1x125x128xf32, #tpu.memory_space<vmem>>
        %dma_start3A_1023 = tpu.memref_squeeze %dma_start3A_1022 : memref<1x125x128xf32, #tpu.memory_space<vmem>> -> memref<125x128xf32, #tpu.memory_space<vmem>>
        %dma_start3A_1024 = arith.constant 0 : i32
        %dma_start3A_1025 = tpu.memref_slice %arg5[%add3A_1018, %dma_start3A_1024] : memref<40x125xi32, #tpu.memory_space<vmem>> -> memref<1x125xi32, #tpu.memory_space<vmem>>
        %dma_start3A_1026 = tpu.memref_squeeze %dma_start3A_1025 : memref<1x125xi32, #tpu.memory_space<vmem>> -> memref<125xi32, #tpu.memory_space<vmem>>
        %dma_start3A_1027 = arith.constant 0 : i32
        %dma_start3A_1028 = arith.constant 0 : i32
        %dma_start3A_1029 = tpu.memref_slice %arg2[%dma_start3A_1027, %dma_start3A_1028] : memref<10000x128xf32, #tpu.memory_space<hbm>> -> memref<10000x128xf32, #tpu.memory_space<hbm>>
        tpu.enqueue_indirect_dma source(%dma_start3A_1029 : memref<10000x128xf32, #tpu.memory_space<hbm>>) target(%dma_start3A_1023 : memref<125x128xf32, #tpu.memory_space<vmem>>) offsets(%dma_start3A_1026 : memref<125xi32, #tpu.memory_space<vmem>>) semaphore(%arg11 : memref<!tpu.dma_semaphore, #tpu.memory_space<semaphore_mem>>)
      } else {
      }
    }
    %scan3A_929 = arith.constant 20 : i32
    %barrier3A_930 = arith.constant 0 : index
    tpu.barrier barrier_id(%barrier3A_930)
    %mul3A_931 = arith.constant 632 : i32
    %mul3A_932 = arith.muli %arg1, %mul3A_931 : i32
    %mul3A_933 = arith.constant 632 : i32
    %mul3A_934 = arith.muli %arg1, %mul3A_933 : i32
    "tpu.region"() ({
      %run_scoped3A = tpu.sem_alloc : memref<!tpu.dma_semaphore, #tpu.memory_space<semaphore_mem>>
      %dma_start3A_935 = arith.constant 0 : i32
      %dma_start3A_936 = tpu.memref_slice %arg4[%arg0, %mul3A_934, %dma_start3A_935] : memref<2x10112x128xf32, #tpu.memory_space<hbm>> -> memref<1x632x128xf32, #tpu.memory_space<hbm>>
      %dma_start3A_937 = tpu.memref_squeeze %dma_start3A_936 : memref<1x632x128xf32, #tpu.memory_space<hbm>> -> memref<632x128xf32, #tpu.memory_space<hbm>>
      %dma_start3A_938 = arith.constant 0 : i32
      %dma_start3A_939 = tpu.memref_slice %arg9[%mul3A_932, %dma_start3A_938] : memref<10112x128xf32, #tpu.memory_space<vmem_shared>> -> memref<632x128xf32, #tpu.memory_space<vmem_shared>>
      tpu.enqueue_dma source(%dma_start3A_939 : memref<632x128xf32, #tpu.memory_space<vmem_shared>>) target(%dma_start3A_937 : memref<632x128xf32, #tpu.memory_space<hbm>>) target_semaphore(%run_scoped3A : memref<!tpu.dma_semaphore, #tpu.memory_space<semaphore_mem>>)
      %dma_wait3A_940 = arith.constant 0 : i32
      %dma_wait3A_941 = tpu.memref_slice %arg4[%arg0, %mul3A_934, %dma_wait3A_940] : memref<2x10112x128xf32, #tpu.memory_space<hbm>> -> memref<1x632x128xf32, #tpu.memory_space<hbm>>
      %dma_wait3A_942 = tpu.memref_squeeze %dma_wait3A_941 : memref<1x632x128xf32, #tpu.memory_space<hbm>> -> memref<632x128xf32, #tpu.memory_space<hbm>>
      %dma_wait3A_943 = arith.constant 0 : i32
      %dma_wait3A_944 = tpu.memref_slice %arg9[%mul3A_932, %dma_wait3A_943] : memref<10112x128xf32, #tpu.memory_space<vmem_shared>> -> memref<632x128xf32, #tpu.memory_space<vmem_shared>>
      tpu.wait_dma2 semaphore(%run_scoped3A : memref<!tpu.dma_semaphore, #tpu.memory_space<semaphore_mem>>) src(%dma_wait3A_944 : memref<632x128xf32, #tpu.memory_space<vmem_shared>>) dst(%dma_wait3A_942 : memref<632x128xf32, #tpu.memory_space<hbm>>)
      tpu.yield
    }) : () -> ()
    return
  }
}

module attributes {stable_mosaic.version = 14 : i64} {
  func.func @_scale_body(%arg0: i32, %arg1: memref<2000x128xf32, #tpu.memory_space<vmem>>, %arg2: memref<2000x1xf32, #tpu.memory_space<vmem>>, %arg3: memref<2000x128xf32, #tpu.memory_space<vmem>>) attributes {dimension_semantics = [#tpu.dimension_semantics<arbitrary>], iteration_bounds = array<i64: 5>, scalar_prefetch = 0 : i64, scratch_operands = 0 : i64, tpu.core_type = #tpu.core_type<tc>, window_params = [{transform_indices = @transform_0, window_bounds = array<i64: 2000, 128>}, {transform_indices = @transform_1, window_bounds = array<i64: 2000, 1>}, {transform_indices = @transform_2, window_bounds = array<i64: 2000, 128>}]} {
    %get3A = arith.constant 0 : index
    %get3A_0 = arith.constant 0 : index
    %get3A_1 = vector.load %arg1[%get3A, %get3A_0] : memref<2000x128xf32, #tpu.memory_space<vmem>>, vector<2000x128xf32>
    %get3A_2 = arith.constant 0 : index
    %get3A_3 = arith.constant 0 : index
    %get3A_4 = vector.load %arg2[%get3A_2, %get3A_3] : memref<2000x1xf32, #tpu.memory_space<vmem>>, vector<2000x1xf32>
    %mul3A = vector.broadcast %get3A_4 : vector<2000x1xf32> to vector<2000x128xf32>
    %mul3A_5 = arith.mulf %get3A_1, %mul3A : vector<2000x128xf32>
    %swap3A = arith.constant 0 : index
    %swap3A_6 = arith.constant 0 : index
    %swap3A_7 = vector.load %arg3[%swap3A, %swap3A_6] : memref<2000x128xf32, #tpu.memory_space<vmem>>, vector<2000x128xf32>
    tpu.vector_store %arg3[%swap3A, %swap3A_6], %mul3A_5 {strides = array<i32>} : memref<2000x128xf32, #tpu.memory_space<vmem>>, vector<2000x128xf32>,
    return
  }
  func.func @transform_0(%arg0: i32) -> (i32, i32) {
    %c0_i32 = arith.constant 0 : i32
    %c0_i32_0 = arith.constant 0 : i32
    return %arg0, %c0_i32 : i32, i32
  }
  func.func @transform_1(%arg0: i32) -> (i32, i32) {
    %c0_i32 = arith.constant 0 : i32
    %c0_i32_0 = arith.constant 0 : i32
    return %arg0, %c0_i32 : i32, i32
  }
  func.func @transform_2(%arg0: i32) -> (i32, i32) {
    %c0_i32 = arith.constant 0 : i32
    %c0_i32_0 = arith.constant 0 : i32
    return %arg0, %c0_i32 : i32, i32
  }
}

module attributes {stable_mosaic.version = 14 : i64} {
  func.func @_post_body(%arg0: i32, %arg1: i32, %arg2: memref<2x2000x128xf32, #tpu.memory_space<vmem>>, %arg3: memref<2000x1xf32, #tpu.memory_space<vmem>>, %arg4: memref<128x128xf32, #tpu.memory_space<vmem>>, %arg5: memref<128xf32, #tpu.memory_space<vmem>>, %arg6: memref<128xf32, #tpu.memory_space<vmem>>, %arg7: memref<128xf32, #tpu.memory_space<vmem>>, %arg8: memref<1x1x2000xi32, #tpu.memory_space<vmem>>, %arg9: memref<2000x128xf32, #tpu.memory_space<vmem>>, %arg10: memref<64x128xf32, #tpu.memory_space<vmem>>, %arg11: memref<10000x128xf32, #tpu.memory_space<vmem>>, %arg12: memref<1x128xf32, #tpu.memory_space<vmem>>, %arg13: memref<1x128xf32, #tpu.memory_space<vmem>>) attributes {dimension_semantics = [#tpu.dimension_semantics<arbitrary>, #tpu.dimension_semantics<arbitrary>], iteration_bounds = array<i64: 2, 5>, scalar_prefetch = 0 : i64, scratch_operands = 3 : i64, tpu.core_type = #tpu.core_type<tc>, window_params = [{transform_indices = @transform_0, window_bounds = array<i64: 2, 2000, 128>}, {transform_indices = @transform_1, window_bounds = array<i64: 2000, 1>}, {pipeline_mode = #tpu.pipeline_mode<synchronous>, transform_indices = @transform_2, window_bounds = array<i64: 128, 128>}, {pipeline_mode = #tpu.pipeline_mode<synchronous>, transform_indices = @transform_3, window_bounds = array<i64: 128>}, {pipeline_mode = #tpu.pipeline_mode<synchronous>, transform_indices = @transform_4, window_bounds = array<i64: 128>}, {pipeline_mode = #tpu.pipeline_mode<synchronous>, transform_indices = @transform_5, window_bounds = array<i64: 128>}, {transform_indices = @transform_6, window_bounds = array<i64: 1, 1, 2000>}, {transform_indices = @transform_7, window_bounds = array<i64: 2000, 128>}, {pipeline_mode = #tpu.pipeline_mode<synchronous>, transform_indices = @transform_8, window_bounds = array<i64: 64, 128>}]} {
    %eq3A = arith.constant 0 : i32
    %eq3A_0 = arith.cmpi eq, %arg0, %eq3A : i32
    %convert_element_type3A = arith.extui %eq3A_0 : i1 to i32
    %cond3A = arith.constant 0 : i32
    %cond3A_1 = arith.cmpi ne, %convert_element_type3A, %cond3A : i32
    scf.if %cond3A_1 {
      %get3A = arith.constant 0 : index
      %get3A_7 = arith.constant 0 : index
      %get3A_8 = arith.constant 0 : index
      %get3A_9 = vector.load %arg2[%get3A, %get3A_7, %get3A_8] : memref<2x2000x128xf32, #tpu.memory_space<vmem>>, vector<1x2000x128xf32>
      %get3A_10 = vector.shape_cast %get3A_9 : vector<1x2000x128xf32> to vector<2000x128xf32>
      %get3A_11 = arith.constant 1 : index
      %get3A_12 = arith.constant 0 : index
      %get3A_13 = arith.constant 0 : index
      %get3A_14 = vector.load %arg2[%get3A_11, %get3A_12, %get3A_13] : memref<2x2000x128xf32, #tpu.memory_space<vmem>>, vector<1x2000x128xf32>
      %get3A_15 = vector.shape_cast %get3A_14 : vector<1x2000x128xf32> to vector<2000x128xf32>
      %add3A = arith.addf %get3A_10, %get3A_15 : vector<2000x128xf32>
      %get3A_16 = arith.constant 0 : index
      %get3A_17 = arith.constant 0 : index
      %get3A_18 = vector.load %arg3[%get3A_16, %get3A_17] : memref<2000x1xf32, #tpu.memory_space<vmem>>, vector<2000x1xf32>
      %mul3A = vector.broadcast %get3A_18 : vector<2000x1xf32> to vector<2000x128xf32>
      %mul3A_19 = arith.mulf %add3A, %mul3A : vector<2000x128xf32>
      %get3A_20 = arith.constant 0 : index
      %get3A_21 = arith.constant 0 : index
      %get3A_22 = vector.load %arg4[%get3A_20, %get3A_21] : memref<128x128xf32, #tpu.memory_space<vmem>>, vector<128x128xf32>
      %dot_general3A = arith.constant dense<0.000000e+00> : vector<2000x128xf32>
      %dot_general3A_23 = tpu.matmul %mul3A_19, %get3A_22, %dot_general3A {dimension_numbers = #tpu.dot_dimension_numbers<[1], [1], [0], [0], [0, 0, 1, 0], [], []>, precision = #tpu.contract_precision<fp32>, transpose_lhs_hint = false} : vector<2000x128xf32>, vector<128x128xf32>, vector<2000x128xf32> -> vector<2000x128xf32>
      %get3A_24 = arith.constant 0 : index
      %get3A_25 = vector.load %arg5[%get3A_24] : memref<128xf32, #tpu.memory_space<vmem>>, vector<128xf32>
      %broadcast_in_dim3A = vector.shape_cast %get3A_25 : vector<128xf32> to vector<1x128xf32>
      %add3A_26 = vector.broadcast %broadcast_in_dim3A : vector<1x128xf32> to vector<2000x128xf32>
      %add3A_27 = arith.addf %dot_general3A_23, %add3A_26 : vector<2000x128xf32>
      %max3A = arith.constant 0.000000e+00 : f32
      %max3A_28 = vector.broadcast %max3A : f32 to vector<2000x128xf32>
      %max3A_29 = arith.maximumf %add3A_27, %max3A_28 : vector<2000x128xf32>
      %mul3A_30 = arith.constant 2000 : i32
      %mul3A_31 = arith.muli %arg1, %mul3A_30 : i32
      %swap3A = arith.index_cast %mul3A_31 : i32 to index
      %swap3A_32 = arith.constant 0 : index
      %swap3A_33 = vector.load %arg11[%swap3A, %swap3A_32] : memref<10000x128xf32, #tpu.memory_space<vmem>>, vector<2000x128xf32>
      tpu.vector_store %arg11[%swap3A, %swap3A_32], %max3A_29 {strides = array<i32>} : memref<10000x128xf32, #tpu.memory_space<vmem>>, vector<2000x128xf32>,
      %eq3A_34 = arith.constant 0 : i32
      %eq3A_35 = arith.cmpi eq, %arg1, %eq3A_34 : i32
      %convert_element_type3A_36 = arith.extui %eq3A_35 : i1 to i32
      %cond3A_37 = arith.constant 0 : i32
      %cond3A_38 = arith.cmpi ne, %convert_element_type3A_36, %cond3A_37 : i32
      scf.if %cond3A_38 {
        %broadcast_in_dim3A_59 = arith.constant 0.000000e+00 : f32
        %broadcast_in_dim3A_60 = vector.broadcast %broadcast_in_dim3A_59 : f32 to vector<1x128xf32>
        %swap3A_61 = arith.constant 0 : index
        %swap3A_62 = arith.constant 0 : index
        %swap3A_63 = vector.load %arg12[%swap3A_61, %swap3A_62] : memref<1x128xf32, #tpu.memory_space<vmem>>, vector<1x128xf32>
        tpu.vector_store %arg12[%swap3A_61, %swap3A_62], %broadcast_in_dim3A_60 {strides = array<i32>} : memref<1x128xf32, #tpu.memory_space<vmem>>, vector<1x128xf32>,
        %broadcast_in_dim3A_64 = arith.constant 0.000000e+00 : f32
        %broadcast_in_dim3A_65 = vector.broadcast %broadcast_in_dim3A_64 : f32 to vector<1x128xf32>
        %swap3A_66 = arith.constant 0 : index
        %swap3A_67 = arith.constant 0 : index
        %swap3A_68 = vector.load %arg13[%swap3A_66, %swap3A_67] : memref<1x128xf32, #tpu.memory_space<vmem>>, vector<1x128xf32>
        tpu.vector_store %arg13[%swap3A_66, %swap3A_67], %broadcast_in_dim3A_65 {strides = array<i32>} : memref<1x128xf32, #tpu.memory_space<vmem>>, vector<1x128xf32>,
      } else {
      }
      %get3A_39 = arith.constant 0 : index
      %get3A_40 = arith.constant 0 : index
      %get3A_41 = vector.load %arg12[%get3A_39, %get3A_40] : memref<1x128xf32, #tpu.memory_space<vmem>>, vector<1x128xf32>
      %reduce_sum3A = arith.constant dense<0.000000e+00> : vector<128xf32>
      %reduce_sum3A_42 = vector.multi_reduction <add>, %max3A_29, %reduce_sum3A [0] : vector<2000x128xf32> to vector<128xf32>
      %broadcast_in_dim3A_43 = vector.shape_cast %reduce_sum3A_42 : vector<128xf32> to vector<1x128xf32>
      %add3A_44 = arith.addf %get3A_41, %broadcast_in_dim3A_43 : vector<1x128xf32>
      %swap3A_45 = arith.constant 0 : index
      %swap3A_46 = arith.constant 0 : index
      %swap3A_47 = vector.load %arg12[%swap3A_45, %swap3A_46] : memref<1x128xf32, #tpu.memory_space<vmem>>, vector<1x128xf32>
      tpu.vector_store %arg12[%swap3A_45, %swap3A_46], %add3A_44 {strides = array<i32>} : memref<1x128xf32, #tpu.memory_space<vmem>>, vector<1x128xf32>,
      %get3A_48 = arith.constant 0 : index
      %get3A_49 = arith.constant 0 : index
      %get3A_50 = vector.load %arg13[%get3A_48, %get3A_49] : memref<1x128xf32, #tpu.memory_space<vmem>>, vector<1x128xf32>
      %mul3A_51 = arith.mulf %max3A_29, %max3A_29 : vector<2000x128xf32>
      %reduce_sum3A_52 = arith.constant dense<0.000000e+00> : vector<128xf32>
      %reduce_sum3A_53 = vector.multi_reduction <add>, %mul3A_51, %reduce_sum3A_52 [0] : vector<2000x128xf32> to vector<128xf32>
      %broadcast_in_dim3A_54 = vector.shape_cast %reduce_sum3A_53 : vector<128xf32> to vector<1x128xf32>
      %add3A_55 = arith.addf %get3A_50, %broadcast_in_dim3A_54 : vector<1x128xf32>
      %swap3A_56 = arith.constant 0 : index
      %swap3A_57 = arith.constant 0 : index
      %swap3A_58 = vector.load %arg13[%swap3A_56, %swap3A_57] : memref<1x128xf32, #tpu.memory_space<vmem>>, vector<1x128xf32>
      tpu.vector_store %arg13[%swap3A_56, %swap3A_57], %add3A_55 {strides = array<i32>} : memref<1x128xf32, #tpu.memory_space<vmem>>, vector<1x128xf32>,
    } else {
    }
    %eq3A_2 = arith.constant 1 : i32
    %eq3A_3 = arith.cmpi eq, %arg0, %eq3A_2 : i32
    %convert_element_type3A_4 = arith.extui %eq3A_3 : i1 to i32
    %cond3A_5 = arith.constant 0 : i32
    %cond3A_6 = arith.cmpi ne, %convert_element_type3A_4, %cond3A_5 : i32
    scf.if %cond3A_6 {
      %get3A = arith.constant 0 : index
      %get3A_7 = arith.constant 0 : index
      %get3A_8 = vector.load %arg12[%get3A, %get3A_7] : memref<1x128xf32, #tpu.memory_space<vmem>>, vector<1x128xf32>
      %mul3A = arith.constant 9.99999974E-5 : f32
      %mul3A_9 = vector.broadcast %mul3A : f32 to vector<1x128xf32>
      %mul3A_10 = arith.mulf %get3A_8, %mul3A_9 : vector<1x128xf32>
      %get3A_11 = arith.constant 0 : index
      %get3A_12 = arith.constant 0 : index
      %get3A_13 = vector.load %arg13[%get3A_11, %get3A_12] : memref<1x128xf32, #tpu.memory_space<vmem>>, vector<1x128xf32>
      %mul3A_14 = arith.constant 9.99999974E-5 : f32
      %mul3A_15 = vector.broadcast %mul3A_14 : f32 to vector<1x128xf32>
      %mul3A_16 = arith.mulf %get3A_13, %mul3A_15 : vector<1x128xf32>
      %mul3A_17 = arith.mulf %mul3A_10, %mul3A_10 : vector<1x128xf32>
      %sub3A = arith.subf %mul3A_16, %mul3A_17 : vector<1x128xf32>
      %get3A_18 = arith.constant 0 : index
      %get3A_19 = vector.load %arg6[%get3A_18] : memref<128xf32, #tpu.memory_space<vmem>>, vector<128xf32>
      %broadcast_in_dim3A = vector.shape_cast %get3A_19 : vector<128xf32> to vector<1x128xf32>
      %add3A = arith.constant 9.99999974E-6 : f32
      %add3A_20 = vector.broadcast %add3A : f32 to vector<1x128xf32>
      %add3A_21 = arith.addf %sub3A, %add3A_20 : vector<1x128xf32>
      %sqrt3A = math.sqrt %add3A_21 : vector<1x128xf32>
      %div3A = arith.divf %broadcast_in_dim3A, %sqrt3A : vector<1x128xf32>
      %mul3A_22 = arith.constant 2000 : i32
      %mul3A_23 = arith.muli %arg1, %mul3A_22 : i32
      %get3A_24 = arith.index_cast %mul3A_23 : i32 to index
      %get3A_25 = arith.constant 0 : index
      %get3A_26 = vector.load %arg11[%get3A_24, %get3A_25] : memref<10000x128xf32, #tpu.memory_space<vmem>>, vector<2000x128xf32>
      %sub3A_27 = vector.broadcast %mul3A_10 : vector<1x128xf32> to vector<2000x128xf32>
      %sub3A_28 = arith.subf %get3A_26, %sub3A_27 : vector<2000x128xf32>
      %mul3A_29 = vector.broadcast %div3A : vector<1x128xf32> to vector<2000x128xf32>
      %mul3A_30 = arith.mulf %sub3A_28, %mul3A_29 : vector<2000x128xf32>
      %get3A_31 = arith.constant 0 : index
      %get3A_32 = vector.load %arg7[%get3A_31] : memref<128xf32, #tpu.memory_space<vmem>>, vector<128xf32>
      %broadcast_in_dim3A_33 = vector.shape_cast %get3A_32 : vector<128xf32> to vector<1x128xf32>
      %add3A_34 = vector.broadcast %broadcast_in_dim3A_33 : vector<1x128xf32> to vector<2000x128xf32>
      %add3A_35 = arith.addf %mul3A_30, %add3A_34 : vector<2000x128xf32>
      %swap3A = arith.constant 0 : index
      %swap3A_36 = arith.constant 0 : index
      %swap3A_37 = vector.load %arg9[%swap3A, %swap3A_36] : memref<2000x128xf32, #tpu.memory_space<vmem>>, vector<2000x128xf32>
      tpu.vector_store %arg9[%swap3A, %swap3A_36], %add3A_35 {strides = array<i32>} : memref<2000x128xf32, #tpu.memory_space<vmem>>, vector<2000x128xf32>,
      %get3A_38 = arith.constant 0 : index
      %get3A_39 = arith.constant 0 : index
      %get3A_40 = arith.constant 0 : index
      %get3A_41 = vector.load %arg8[%get3A_38, %get3A_39, %get3A_40] : memref<1x1x2000xi32, #tpu.memory_space<vmem>>, vector<1x1x2000xi32>
      %get3A_42 = vector.shape_cast %get3A_41 : vector<1x1x2000xi32> to vector<1x2000xi32>
      %iota3A = tpu.iota {dimensions = array<i32: 0>} : vector<64x2000xi32>
      %eq3A_43 = vector.broadcast %get3A_42 : vector<1x2000xi32> to vector<64x2000xi32>
      %eq3A_44 = arith.cmpi eq, %iota3A, %eq3A_43 : vector<64x2000xi32>
      %convert_element_type3A_45 = arith.extui %eq3A_44 : vector<64x2000xi1> to vector<64x2000xi32>
      %convert_element_type3A_46 = arith.sitofp %convert_element_type3A_45 : vector<64x2000xi32> to vector<64x2000xf32>
      %dot_general3A = arith.constant dense<0.000000e+00> : vector<64x128xf32>
      %dot_general3A_47 = tpu.matmul %convert_element_type3A_46, %add3A_35, %dot_general3A {dimension_numbers = #tpu.dot_dimension_numbers<[1], [0], [0], [1], [0, 0, 1, 1], [], []>, precision = #tpu.contract_precision<fp32>, transpose_lhs_hint = false} : vector<64x2000xf32>, vector<2000x128xf32>, vector<64x128xf32> -> vector<64x128xf32>
      %eq3A_48 = arith.constant 0 : i32
      %eq3A_49 = arith.cmpi eq, %arg1, %eq3A_48 : i32
      %convert_element_type3A_50 = arith.extui %eq3A_49 : i1 to i32
      %cond3A_51 = arith.constant 0 : i32
      %cond3A_52 = arith.cmpi ne, %convert_element_type3A_50, %cond3A_51 : i32
      scf.if %cond3A_52 {
        %broadcast_in_dim3A_60 = arith.constant 0.000000e+00 : f32
        %broadcast_in_dim3A_61 = vector.broadcast %broadcast_in_dim3A_60 : f32 to vector<64x128xf32>
        %swap3A_62 = arith.constant 0 : index
        %swap3A_63 = arith.constant 0 : index
        %swap3A_64 = vector.load %arg10[%swap3A_62, %swap3A_63] : memref<64x128xf32, #tpu.memory_space<vmem>>, vector<64x128xf32>
        tpu.vector_store %arg10[%swap3A_62, %swap3A_63], %broadcast_in_dim3A_61 {strides = array<i32>} : memref<64x128xf32, #tpu.memory_space<vmem>>, vector<64x128xf32>,
      } else {
      }
      %get3A_53 = arith.constant 0 : index
      %get3A_54 = arith.constant 0 : index
      %get3A_55 = vector.load %arg10[%get3A_53, %get3A_54] : memref<64x128xf32, #tpu.memory_space<vmem>>, vector<64x128xf32>
      %add3A_56 = arith.addf %get3A_55, %dot_general3A_47 : vector<64x128xf32>
      %swap3A_57 = arith.constant 0 : index
      %swap3A_58 = arith.constant 0 : index
      %swap3A_59 = vector.load %arg10[%swap3A_57, %swap3A_58] : memref<64x128xf32, #tpu.memory_space<vmem>>, vector<64x128xf32>
      tpu.vector_store %arg10[%swap3A_57, %swap3A_58], %add3A_56 {strides = array<i32>} : memref<64x128xf32, #tpu.memory_space<vmem>>, vector<64x128xf32>,
    } else {
    }
    return
  }
  func.func @transform_0(%arg0: i32, %arg1: i32) -> (i32, i32, i32) {
    %eq3A = arith.constant 0 : i32
    %eq3A_0 = arith.cmpi eq, %arg0, %eq3A : i32
    %jit3A = arith.constant 0 : i32
    %select_n3A = arith.select %eq3A_0, %arg1, %jit3A : i32
    %c0_i32 = arith.constant 0 : i32
    %c0_i32_1 = arith.constant 0 : i32
    %c0_i32_2 = arith.constant 0 : i32
    return %c0_i32, %select_n3A, %c0_i32_1 : i32, i32, i32
  }
  func.func @transform_1(%arg0: i32, %arg1: i32) -> (i32, i32) {
    %eq3A = arith.constant 0 : i32
    %eq3A_0 = arith.cmpi eq, %arg0, %eq3A : i32
    %jit3A = arith.constant 0 : i32
    %select_n3A = arith.select %eq3A_0, %arg1, %jit3A : i32
    %c0_i32 = arith.constant 0 : i32
    %c0_i32_1 = arith.constant 0 : i32
    return %select_n3A, %c0_i32 : i32, i32
  }
  func.func @transform_2(%arg0: i32, %arg1: i32) -> (i32, i32) {
    %c0_i32 = arith.constant 0 : i32
    %c0_i32_0 = arith.constant 0 : i32
    %c0_i32_1 = arith.constant 0 : i32
    return %c0_i32, %c0_i32_0 : i32, i32
  }
  func.func @transform_3(%arg0: i32, %arg1: i32) -> i32 {
    %c0_i32 = arith.constant 0 : i32
    %c0_i32_0 = arith.constant 0 : i32
    return %c0_i32 : i32
  }
  func.func @transform_4(%arg0: i32, %arg1: i32) -> i32 {
    %c0_i32 = arith.constant 0 : i32
    %c0_i32_0 = arith.constant 0 : i32
    return %c0_i32 : i32
  }
  func.func @transform_5(%arg0: i32, %arg1: i32) -> i32 {
    %c0_i32 = arith.constant 0 : i32
    %c0_i32_0 = arith.constant 0 : i32
    return %c0_i32 : i32
  }
  func.func @transform_6(%arg0: i32, %arg1: i32) -> (i32, i32, i32) {
    %eq3A = arith.constant 1 : i32
    %eq3A_0 = arith.cmpi eq, %arg0, %eq3A : i32
    %jit3A = arith.constant 0 : i32
    %select_n3A = arith.select %eq3A_0, %arg1, %jit3A : i32
    %c0_i32 = arith.constant 0 : i32
    %c0_i32_1 = arith.constant 0 : i32
    %c0_i32_2 = arith.constant 0 : i32
    return %select_n3A, %c0_i32, %c0_i32_1 : i32, i32, i32
  }
  func.func @transform_7(%arg0: i32, %arg1: i32) -> (i32, i32) {
    %eq3A = arith.constant 1 : i32
    %eq3A_0 = arith.cmpi eq, %arg0, %eq3A : i32
    %jit3A = arith.constant 0 : i32
    %select_n3A = arith.select %eq3A_0, %arg1, %jit3A : i32
    %c0_i32 = arith.constant 0 : i32
    %c0_i32_1 = arith.constant 0 : i32
    return %select_n3A, %c0_i32 : i32, i32
  }
  func.func @transform_8(%arg0: i32, %arg1: i32) -> (i32, i32) {
    %c0_i32 = arith.constant 0 : i32
    %c0_i32_0 = arith.constant 0 : i32
    %c0_i32_1 = arith.constant 0 : i32
    return %c0_i32, %c0_i32_0 : i32, i32
  }
}

</mosaic_0001>

<sc_bundles>
// kernel: kernel.5.cloned.1.call-start
scs
__scs_entry_jumppad:
0x0: {  	(pc) =	sbr.rel $0x88, $3  }
0x1: {  	(tag) =	ssettag $0x0;
	lr =	simm.s32 $0x1  }
0x2: {  	[smem:$0x3F99] =	sst lr;
	_ =	strace $0xD0000000  }
0x3: {  	_ = 	snop  }
0x4: {  	_ = 	snop  }
0x5: {  	_ = 	snop  }
0x6: {  	_ = 	snop  }
0x7: {  	_ = 	snop  }
__scs_overlays_trampoline_lowered:
0x8: {  	[smem:$0x3FA8] =	sst s0  }
0x9: {  	[smem:$0x3FA9] =	sst s1  }
0xa: {  	[smem:$0x3FAA] =	sst s2  }
0xb: {  	[smem:$0x3FAB] =	sst s3  }
0xc: {  	[smem:$0x3FAC] =	sst s4  }
0xd: {  	[smem:$0x3FAD] =	sst s5  }
0xe: {  	[smem:$0x3FAE] =	sst s6  }
0xf: {  	[smem:$0x3FAF] =	sst s7  }
0x10: {  	[smem:$0x3FB0] =	sst s8  }
0x11: {  	[smem:$0x3FB1] =	sst s9;
	s0 =	simm.s32 @!p0 $0x0  }
0x12: {  	s1 =	sld [smem:$0x3F97];
	s0 =	simm.s32 @p0 $0x1  }
0x13: {  	[smem:$0x3FB2] =	sst s0;
	s0 =	simm.s32 @!p1 $0x0  }
0x14: {  	s2 =	sld [smem:$0x3F96];
	s0 =	simm.s32 @p1 $0x1  }
0x15: {  	[smem:$0x3FB3] =	sst s0;
	s0 =	simm.s32 @!p2 $0x0  }
0x16: {  	s3 =	sld [smem:$0x3FDB];
	s0 =	simm.s32 @p2 $0x1  }
0x17: {  	s4 =	simm.s32 $0x1BF5;
	[smem:$0x3FB5] =	sst s0  }
0x18: {  	s0 =	sld [smem:$0x3F98];
	_ =	swait.ge [sflag:s4], $0x0  }
0x19: {  	s7 =	sld [smem:$0x3F99]  }
0x1a: {  	s8 =	sadd.s32 $0xFFFFE003, lr  }
0x1b: {  	s9 =	sadd.s32 $0xFFFFFEF7, lr;
	s5 =	simm.s32 $0xFFFFFFFF;
	p2 =	slt.u32 s8, $0xFFFFF086  }
0x1c: {  	p1 =	slt.u32 s9, $0xF7A;
	s5 =	simm.s32 @!p2 $0x0  }
0x1d: {  	s5 =	simm.s32 @p1 $0x1;
	p0 =	seq.s32 s7, s2  }
0x1e: {  	s7 =	smul.u32 @!p0 $0xF7A, s2;
	p2 =	seq.s32 @!p0 s5, $0x0  }
0x1f: {  	s9 =	smul.u32 $0xF7A, s1;
	s8 =	simm.s32 @!p0 $0x1BF5;
	p2 =	por !p2, p0  }
0x20: {  	[sflag:s8] =	ssyncset.s32 @!p0 $0xFFFFF086;
	s6 =	sadd.s32 @!p0 s3, s7;
	s7 =	simm.s32 @!p0 $0x108  }
0x21: {  	s3 =	sadd.s32 s3, s9;
	s6 =	sadd.s32 @!p0 $0x88, s6;
	s7 =	simm.s32 @p2 $0x1082  }
0x22: {  	[simem:s7], [sflag:s8] =	dma.local @!p0 [hbm:s6], $0xF7A  }
0x23: {  	s9 =	sor.u32 $0xD0000000, s2;
	s6 =	simm.s32 $0x108;
	_ =	swait.ge @!p0 [sflag:s8], $0x0  }
0x24: {  	s3 =	sadd.s32 $0x88, s3;
	s6 =	simm.s32 @!p1 $0x1082;
	[sflag:s4] =	ssyncset.s32 $0xFFFFF086  }
0x25: {  	[simem:s6], [sflag:s4] =	dma.local [hbm:s3], $0xF7A  }
0x26: {  	[smem:$0x3F99] =	sst s1;
	(tag) =	ssettag s2;
	_ =	strace s9  }
0x27: {  	s1 =	sld [smem:$0x3FA9]  }
0x28: {  	s2 =	sld [smem:$0x3FAA]  }
0x29: {  	s4 =	sld [smem:$0x3FAC]  }
0x2a: {  	p0 =	seq.s32 s5, $0x0;
	s5 =	sld [smem:$0x3FAD]  }
0x2b: {  	s6 =	sld [smem:$0x3FAE]  }
0x2c: {  	s7 =	sld [smem:$0x3FAF]  }
0x2d: {  	s3 =	simm.s32 $0x108;
	s8 =	sld [smem:$0x3FB0]  }
0x2e: {  	s3 =	simm.s32 @!p0 $0x1082;
	s9 =	sld [smem:$0x3FB1]  }
0x2f: {  	lr =	sadd.s32 s0, s3;
	s0 =	sld [smem:$0x3FA8]  }
0x30: {  	s3 =	sld [smem:$0x3FAB]  }
0x31: {  	[smem:$0x3FB4] =	sst s10  }
0x32: {  	s10 =	sld [smem:$0x3FB2];
	_ =	sdelay $0x3  }
0x33: {  	p0 =	seq.s32 s10, $0x1;
	s10 =	sld [smem:$0x3FB4];
	_ =	sdelay $0x3  }
0x34: {  	[smem:$0x3FB4] =	sst s10  }
0x35: {  	s10 =	sld [smem:$0x3FB3];
	_ =	sdelay $0x3  }
0x36: {  	p1 =	seq.s32 s10, $0x1;
	s10 =	sld [smem:$0x3FB4];
	_ =	sdelay $0x3  }
0x37: {  	[smem:$0x3FB4] =	sst s10  }
0x38: {  	s10 =	sld [smem:$0x3FB5]  }
0x39: {  	_ = 	snop;
	(pc) =	sbr.ind lr, $3  }
0x3a: {  	_ = 	snop  }
0x3b: {  	_ = 	snop  }
0x3c: {  	p2 =	seq.s32 s10, $0x1;
	s10 =	sld [smem:$0x3FB4]  }
0x3d: {  	_ =	shalt  }
0x3e: {  	_ =	shalt  }
0x3f: {  	_ =	shalt  }
0x40: {  	_ =	shalt  }
0x41: {  	_ =	shalt  }
0x42: {  	_ =	shalt  }
0x43: {  	_ =	shalt  }
0x44: {  	_ =	shalt  }
0x45: {  	_ =	shalt  }
0x46: {  	_ =	shalt  }
0x47: {  	_ =	shalt  }
0x48: {  	_ =	shalt  }
0x49: {  	_ =	shalt  }
0x4a: {  	_ =	shalt  }
0x4b: {  	_ =	shalt  }
0x4c: {  	_ =	shalt  }
0x4d: {  	_ =	shalt  }
0x4e: {  	_ =	shalt  }
0x4f: {  	_ =	shalt  }
0x50: {  	_ =	shalt  }
0x51: {  	_ =	shalt  }
0x52: {  	_ =	shalt  }
0x53: {  	_ =	shalt  }
0x54: {  	_ =	shalt  }
0x55: {  	_ =	shalt  }
0x56: {  	_ =	shalt  }
0x57: {  	_ =	shalt  }
0x58: {  	_ =	shalt  }
0x59: {  	_ =	shalt  }
0x5a: {  	_ =	shalt  }
0x5b: {  	_ =	shalt  }
0x5c: {  	_ =	shalt  }
0x5d: {  	_ =	shalt  }
0x5e: {  	_ =	shalt  }
0x5f: {  	_ =	shalt  }
0x60: {  	_ =	shalt  }
0x61: {  	_ =	shalt  }
0x62: {  	_ =	shalt  }
0x63: {  	_ =	shalt  }
0x64: {  	_ =	shalt  }
0x65: {  	_ =	shalt  }
0x66: {  	_ =	shalt  }
0x67: {  	_ =	shalt  }
0x68: {  	_ =	shalt  }
0x69: {  	_ =	shalt  }
0x6a: {  	_ =	shalt  }
0x6b: {  	_ =	shalt  }
0x6c: {  	_ =	shalt  }
0x6d: {  	_ =	shalt  }
0x6e: {  	_ =	shalt  }
0x6f: {  	_ =	shalt  }
0x70: {  	_ =	shalt  }
0x71: {  	_ =	shalt  }
0x72: {  	_ =	shalt  }
0x73: {  	_ =	shalt  }
0x74: {  	_ =	shalt  }
0x75: {  	_ =	shalt  }
0x76: {  	_ =	shalt  }
0x77: {  	_ =	shalt  }
0x78: {  	_ =	shalt  }
0x79: {  	_ =	shalt  }
0x7a: {  	_ =	shalt  }
0x7b: {  	_ =	shalt  }
0x7c: {  	_ =	shalt  }
0x7d: {  	_ =	shalt  }
0x7e: {  	_ =	shalt  }
0x7f: {  	_ =	shalt  }
0x80: {  	_ =	shalt  }
0x81: {  	_ =	shalt  }
0x82: {  	_ =	shalt  }
0x83: {  	_ =	shalt  }
0x84: {  	_ =	shalt  }
0x85: {  	_ =	shalt  }
0x86: {  	_ =	shalt  }
0x87: {  	_ =	shalt  }
.Lfunc_end0:
.L_simem_size_0:
called_computation_lowered:
.L_overlay_start_0:
0x88: {  	s2 =	sld [smem:$0x3FD9]  }
0x89: {  	s3 =	sld [smem:$0x3FFE];
	_ =	sdelay $0x1  }
0x8a: {  	s1 =	srdreg.scid  }
0x8b: {  	s0 =	sand.u32 $0x1, s1  }
0x8c: {  	s14 =	sshll.u32 s0, $0xA;
	s2 =	sadd.s32 s3, s2  }
0x8d: {  	s2 =	sadd.s32 s2, s14  }
0x8e: {  	[smem:$0x3FC0] =	sst s2  }
0x8f: {  	_ = 	snop  }
0x90: {  	s2 =	sld [smem:$0x3FD0];
	_ =	sdelay $0x2  }
0x91: {  	s15 =	simm.s32 $0xA;
	s4 =	simm.s32 $0x10  }
0x92: {  	[smem:s4], [sflag:s15] =	dma.local [hbm:s2], $0x1  }
0x93: {  	_ =	swait.eq [sflag:s15], $0x1  }
0x94: {  	[sflag:s15] =	ssyncset.done $0x0  }
0x95: {  	[sflag:s15] =	ssyncadd.s32 $0xFFFFFFFF  }
0x96: {  	s16 =	sld [smem:$0x10];
	(tm) =	ssettm $0x1  }
0x97: {  	s17 =	sld [smem:$0x3FFB];
	_ =	sdelay $0x3  }
0x98: {  	_ =	strace s17  }
0x99: {  	s3 =	sld [smem:$0x3FFC];
	_ =	sdelay $0x3  }
0x9a: {  	_ =	strace s3  }
0x9b: {  	s3 =	sld [smem:$0x3FFD];
	_ =	sdelay $0x3  }
0x9c: {  	_ =	strace s3  }
0x9d: {  	_ =	strace $0x8FFFFFFF  }
0x9e: {  	s18 =	sld [smem:$0x3FDB];
	_ =	sdelay $0x1  }
0x9f: {  	s19 =	simm.s32 $_scs_section_size  }
0xa0: {  	s5 =	simm.s32 $_size__tile_overlayer_lowered;
	s6 =	simm.s32 $_tile_overlayer_lowered  }
0xa1: {  	s22 =	simm.s32 $0x1BFF;
	s21 =	sshll.u32 s6, $0x1;
	s3 =	sadd.s32 s19, s18  }
0xa2: {  	s7 =	simm.s32 $0x0;
	s20 =	sshll.u32 s5, $0x1;
	s5 =	sadd.s32 s21, s3  }
0xa3: {  	[timem:s7], [sflag:s22] =	dma.local [hbm:s5], s20  }
0xa4: {  	_ =	swait.ge [sflag:s22], s20  }
0xa5: {  	s4 =	ssub.s32 $0x0, s20;
	[sflag:s22] =	ssyncset.done $0x0  }
0xa6: {  	[sflag:s22] =	ssyncadd.s32 s4;
	_ =	sdelay $0x1  }
0xa7: {  	s23 =	simm.s32 $0x1B8B  }
0xa8: {  	_ =	swait.ge [sflag:s23], $0x1  }
0xa9: {  	[sflag:s23] =	ssyncset.done $0x0  }
0xaa: {  	s25 =	simm.s32 $0x1B8E;
	s24 =	sld [smem:$0x3FFE];
	[sflag:s23] =	ssyncadd.s32 $0xFFFFFFFF  }
0xab: {  	s26 =	simm.s32 $execute0_lowered;
	[smem:$0x3FD2] =	sst s25  }
0xac: {  	s5 =	sshll.u32 s26, $0x1;
	_ =	strace $0x80000046;
	[dreg:$0x1] =	wrdreg $0xFFFFFFFF  }
0xad: {  	s28 =	simm.s32 $_size_execute0_lowered;
	s3 =	sadd.s32 s3, s5;
	[dreg:$0x0] =	wrdreg $0x0  }
0xae: {  	s5 =	sshll.u32 s28, $0x1;
	[dreg:$0x2] =	wrdreg s3  }
0xaf: {  	[dreg:$0x3] =	wrdreg s5  }
0xb0: {  	[dreg:$0x4] =	wrdreg $0xC0  }
0xb1: {  	_ =	task [dreg:s7], $0x5FFFF  }
0xb2: {  	[dreg:$0x1] =	wrdreg $0xFFFFFFFF  }
0xb3: {  	[dreg:$0x0] =	wrdreg $0x60  }
0xb4: {  	[dreg:$0x2] =	wrdreg s16  }
0xb5: {  	[dreg:$0x3] =	wrdreg s24  }
0xb6: {  	[dreg:$0x4] =	wrdreg $0xB0000  }
0xb7: {  	[dreg:$0x5] =	wrdreg $0x9  }
0xb8: {  	_ =	task.clear_ibuf [dreg:s7], $0x6FFFF;
	_ =	strace $0x90000046  }
0xb9: {  	s29 =	simm.s32 $0x9;
	_ =	strace $0x80000048  }
0xba: {  	_ =	swait.ge [sflag:s29], $0x1  }
0xbb: {  	[sflag:s29] =	ssyncadd.s32 $0xFFFFFFFF  }
0xbc: {  	_ =	strace $0x90000048  }
0xbd: {  	_ =	sfence  }
0xbe: {  	s30 =	sld [smem:$0x0];
	_ =	sdelay $0x2  }
0xbf: {  	s31 =	sshll.u32 s1, $0xD;
	s1 =	sshrl.u32 s1, $0x2  }
0xc0: {  	s3 =	sand.u32 $0x4000, s31;
	s1 =	sadd.s32 s1, s30  }
0xc1: {  	s0 =	sor.u32 s3, s0;
	s1 =	sshll.u32 s1, $0x11  }
0xc2: {  	s0 =	sor.u32 s1, s0  }
0xc3: {  	s0 =	sadd.s32 $0x8F2B, s0  }
0xc4: {  	[sflag:s0] =	ssyncadd.remote.s32 $0x1  }
0xc5: {  	_ =	sfence.sel $0xFFFF  }
0xc6: {  	[dreg:$0x0] =	wrdreg $0xFFFFFFFF;
	(pc) =	sbr.abs _section_cstart, $3  }
0xc7: {  	[dreg:$0x1] =	wrdreg $0xFFFFFFFF  }
0xc8: {  	_ =	task.clear_ibuf [dreg:s7], $0x2FFFF;
	_ =	strace $0x9FFFFFFF  }
0xc9: {  	(tm) =	ssettm $0x7FFFFFFF  }
tec
execute0_lowered:
.L_overlay_start_1:
0x0: {  	(tag) =	ssettag $0x1  }
0x1: {  	s0 =	srdreg.scid;
	s2 =	rddreg [dreg:$0x0]  }
0x2: {  	s8 =	stileid.u32;
	s6 =	rddreg [dreg:$0x1]  }
0x3: {  	s3 =	rddreg [dreg:$0x2];
	s0 =	sand.u32 $0x1, s0;
	s7 =	smul.u32 $0x13C00, s8  }
0x4: {  	s4 =	simm.s32 $0x0;
	s1 =	sshll.u32 s0, $0x4;
	s5 =	smul.u32 $0x13C000, s0  }
0x5: {  	s0 =	ssub.s32 $0x2, s0;
	s1 =	sor.u32 s8, s1;
	s8 =	smul.u32 $0x4F000, s8  }
0x6: {  	[smem:$0x7FF] =	sst s4;
	s9 =	sshrl.u32 s0, $0x1  }
0x7: {  	s5 =	sadd.s32 s7, s5;
	s0 =	ssub.s32 s0, s9;
	s16 =	sshrl.u32 s8, $0x2  }
0x8: {  	s17 =	sshrl.u32 s5, $0x3;
	s0 =	smax.u32 s0, $0x1;
	s5 =	sadd.s32 s16, s3  }
0x9: {  	_ =	strace $0x80000047;
	[dreg:$0xa] =	wrdreg s0;
	s7 =	sadd.s32 $0x13800, s5  }
0xa: {  	s22 =	sadd.s32 $0x800, s5;
	[dreg:$0x4] =	wrdreg s7  }
0xb: {  	s23 =	sadd.s32 $0x1000, s5;
	[dreg:$0xb] =	wrdreg s22  }
0xc: {  	s24 =	sadd.s32 $0x1800, s5;
	[dreg:$0xc] =	wrdreg s23  }
0xd: {  	s25 =	sadd.s32 $0x2000, s5;
	[dreg:$0xd] =	wrdreg s24  }
0xe: {  	s26 =	sadd.s32 $0x2800, s5;
	[dreg:$0xe] =	wrdreg s25  }
0xf: {  	s8 =	sadd.s32 $0x4800, s5;
	[dreg:$0xf] =	wrdreg s26  }
0x10: {  	s9 =	sadd.s32 $0x5000, s5;
	[dreg:$0x13] =	wrdreg s8  }
0x11: {  	s10 =	sadd.s32 $0x5800, s5;
	[dreg:$0x14] =	wrdreg s9  }
0x12: {  	s11 =	sadd.s32 $0x6000, s5;
	[dreg:$0x15] =	wrdreg s10  }
0x13: {  	s28 =	simm.s32 $0x1400;
	s12 =	sadd.s32 $0x6800, s5;
	[dreg:$0x16] =	wrdreg s11  }
0x14: {  	s1 =	smul.u32 $0x2800, s1;
	s13 =	sadd.s32 $0x7000, s5;
	[dreg:$0x17] =	wrdreg s12  }
0x15: {  	s29 =	simm.s32 $0x3;
	s14 =	sadd.s32 $0x7800, s5;
	[dreg:$0x18] =	wrdreg s13  }
0x16: {  	s1 =	sshrl.u32 s1, $0x3;
	s15 =	sadd.s32 $0x8000, s5;
	[dreg:$0x19] =	wrdreg s14  }
0x17: {  	s1 =	sadd.s32 s1, s6;
	s16 =	sadd.s32 $0x8800, s5;
	[dreg:$0x1a] =	wrdreg s15  }
0x18: {  	s6 =	sadd.s32 s17, s6;
	s17 =	sadd.s32 $0x9000, s5;
	[dreg:$0x1b] =	wrdreg s16  }
0x19: {  	s30 =	simm.s32 $0x4;
	s18 =	sadd.s32 $0x1600, s1;
	[dreg:$0x1c] =	wrdreg s17  }
0x1a: {  	s31 =	simm.s32 $0x7D;
	s19 =	sadd.s32 $0xB600, s1;
	[dreg:$0x5] =	wrdreg s18  }
0x1b: {  	s0 =	simm.s32 $0x80;
	s20 =	sadd.s32 $0x1880, s1;
	[dreg:$0x6] =	wrdreg s19  }
0x1c: {  	s1 =	sadd.s32 $0xB880, s1;
	s21 =	sadd.s32 $0x15600, s6;
	[dreg:$0x7] =	wrdreg s20  }
0x1d: {  	s6 =	sadd.s32 $0x3800, s5;
	s7 =	sadd.s32 $0x4000, s5;
	[dreg:$0x8] =	wrdreg s1  }
0x1e: {  	s22 =	sadd.s32 $0xB800, s5;
	s23 =	sadd.s32 $0xC000, s5;
	[dreg:$0x9] =	wrdreg s21  }
0x1f: {  	s24 =	sadd.s32 $0xC800, s5;
	s25 =	sadd.s32 $0xD000, s5;
	[dreg:$0x11] =	wrdreg s6  }
0x20: {  	s26 =	sadd.s32 $0xD800, s5;
	s13 =	sadd.s32 $0xE000, s5;
	[dreg:$0x12] =	wrdreg s7  }
0x21: {  	s14 =	sadd.s32 $0xE800, s5;
	s15 =	sadd.s32 $0xF000, s5;
	[smem:$0x7F9] =	sst s22  }
0x22: {  	s16 =	sadd.s32 $0xF800, s5;
	s17 =	sadd.s32 $0x10000, s5;
	[smem:$0x7FA] =	sst s23  }
0x23: {  	s8 =	simm.s32 $0x2780;
	s9 =	simm.s32 $0x5;
	[smem:$0x7FB] =	sst s24  }
0x24: {  	s1 =	sadd.s32 $0x3000, s5;
	s18 =	sadd.s32 $0x9800, s5;
	[smem:$0x7FC] =	sst s25  }
0x25: {  	s19 =	sadd.s32 $0xA000, s5;
	s20 =	sadd.s32 $0xA800, s5;
	[smem:$0x7FD] =	sst s26  }
0x26: {  	s21 =	sadd.s32 $0xB000, s5;
	s22 =	sadd.s32 $0x12800, s5;
	[dreg:$0x10] =	wrdreg s1  }
0x27: {  	s23 =	sadd.s32 $0x13000, s5;
	s24 =	simm.s32 $0xA800;
	[dreg:$0x1d] =	wrdreg s18  }
0x28: {  	s25 =	simm.s32 $0x1;
	s26 =	simm.s32 $0x2;
	[dreg:$0x1e] =	wrdreg s19  }
0x29: {  	s6 =	simm.s32 $0x6800;
	s7 =	simm.s32 $0x2700;
	[dreg:$0x1f] =	wrdreg s20  }
0x2a: {  	[smem:$0x7F8] =	sst s21;
	s18 =	sadd.s32 $0x10800, s5;
	s19 =	sadd.s32 $0x11000, s5  }
0x2b: {  	v0 =	vimm.f32 $0.0e+00;
	s20 =	sadd.s32 $0x11800, s5;
	s21 =	sadd.s32 $0x12000, s5;
	s1 =	simm.s32 $0x2800  }
.LBB2_1:
0x2c: {  	[tilespmem:$0xA800] =	vst v0  }
0x2d: {  	[tilespmem:$0xA810] =	vst v0  }
0x2e: {  	[tilespmem:$0xA820] =	vst v0  }
0x2f: {  	[tilespmem:$0xA830] =	vst v0  }
0x30: {  	[tilespmem:$0xA840] =	vst v0  }
0x31: {  	[tilespmem:$0xA850] =	vst v0  }
0x32: {  	[tilespmem:$0xA860] =	vst v0  }
0x33: {  	[tilespmem:$0xA870] =	vst v0  }
0x34: {  	[tilespmem:$0xA880] =	vst v0  }
0x35: {  	[tilespmem:$0xA890] =	vst v0  }
0x36: {  	[tilespmem:$0xA8A0] =	vst v0  }
0x37: {  	[tilespmem:$0xA8B0] =	vst v0  }
0x38: {  	[tilespmem:$0xA8C0] =	vst v0  }
0x39: {  	[tilespmem:$0xA8D0] =	vst v0  }
0x3a: {  	[tilespmem:$0xA8E0] =	vst v0  }
0x3b: {  	[tilespmem:$0xA8F0] =	vst v0  }
0x3c: {  	[tilespmem:$0xA900] =	vst v0  }
0x3d: {  	[tilespmem:$0xA910] =	vst v0  }
0x3e: {  	[tilespmem:$0xA920] =	vst v0  }
0x3f: {  	[tilespmem:$0xA930] =	vst v0  }
0x40: {  	[tilespmem:$0xA940] =	vst v0  }
0x41: {  	[tilespmem:$0xA950] =	vst v0  }
0x42: {  	[tilespmem:$0xA960] =	vst v0  }
0x43: {  	[tilespmem:$0xA970] =	vst v0  }
0x44: {  	[tilespmem:$0xA980] =	vst v0  }
0x45: {  	[tilespmem:$0xA990] =	vst v0  }
0x46: {  	[tilespmem:$0xA9A0] =	vst v0  }
0x47: {  	[tilespmem:$0xA9B0] =	vst v0  }
0x48: {  	[tilespmem:$0xA9C0] =	vst v0  }
0x49: {  	[tilespmem:$0xA9D0] =	vst v0  }
0x4a: {  	[tilespmem:$0xA9E0] =	vst v0  }
0x4b: {  	[tilespmem:$0xA9F0] =	vst v0  }
0x4c: {  	[tilespmem:$0xAA00] =	vst v0  }
0x4d: {  	[tilespmem:$0xAA10] =	vst v0  }
0x4e: {  	[tilespmem:$0xAA20] =	vst v0  }
0x4f: {  	[tilespmem:$0xAA30] =	vst v0  }
0x50: {  	[tilespmem:$0xAA40] =	vst v0  }
0x51: {  	[tilespmem:$0xAA50] =	vst v0  }
0x52: {  	[tilespmem:$0xAA60] =	vst v0  }
0x53: {  	[tilespmem:$0xAA70] =	vst v0  }
0x54: {  	[tilespmem:$0xAA80] =	vst v0  }
0x55: {  	[tilespmem:$0xAA90] =	vst v0  }
0x56: {  	[tilespmem:$0xAAA0] =	vst v0  }
0x57: {  	[tilespmem:$0xAAB0] =	vst v0  }
0x58: {  	[tilespmem:$0xAAC0] =	vst v0  }
0x59: {  	[tilespmem:$0xAAD0] =	vst v0  }
0x5a: {  	[tilespmem:$0xAAE0] =	vst v0  }
0x5b: {  	[tilespmem:$0xAAF0] =	vst v0  }
0x5c: {  	[tilespmem:$0xAB00] =	vst v0  }
0x5d: {  	[tilespmem:$0xAB10] =	vst v0  }
0x5e: {  	[tilespmem:$0xAB20] =	vst v0  }
0x5f: {  	[tilespmem:$0xAB30] =	vst v0  }
0x60: {  	[tilespmem:$0xAB40] =	vst v0  }
0x61: {  	[tilespmem:$0xAB50] =	vst v0  }
0x62: {  	[tilespmem:$0xAB60] =	vst v0  }
0x63: {  	[tilespmem:$0xAB70] =	vst v0  }
0x64: {  	[tilespmem:$0xAB80] =	vst v0  }
0x65: {  	[tilespmem:$0xAB90] =	vst v0  }
0x66: {  	[tilespmem:$0xABA0] =	vst v0  }
0x67: {  	[tilespmem:$0xABB0] =	vst v0  }
0x68: {  	[tilespmem:$0xABC0] =	vst v0  }
0x69: {  	[tilespmem:$0xABD0] =	vst v0  }
0x6a: {  	[tilespmem:$0xABE0] =	vst v0  }
0x6b: {  	[tilespmem:$0xABF0] =	vst v0  }
0x6c: {  	[tilespmem:$0xAC00] =	vst v0  }
0x6d: {  	[tilespmem:$0xAC10] =	vst v0  }
0x6e: {  	[tilespmem:$0xAC20] =	vst v0  }
0x6f: {  	[tilespmem:$0xAC30] =	vst v0  }
0x70: {  	[tilespmem:$0xAC40] =	vst v0  }
0x71: {  	[tilespmem:$0xAC50] =	vst v0  }
0x72: {  	[tilespmem:$0xAC60] =	vst v0  }
0x73: {  	[tilespmem:$0xAC70] =	vst v0  }
0x74: {  	[tilespmem:$0xAC80] =	vst v0  }
0x75: {  	[tilespmem:$0xAC90] =	vst v0  }
0x76: {  	[tilespmem:$0xACA0] =	vst v0  }
0x77: {  	[tilespmem:$0xACB0] =	vst v0  }
0x78: {  	[tilespmem:$0xACC0] =	vst v0  }
0x79: {  	[tilespmem:$0xACD0] =	vst v0  }
0x7a: {  	[tilespmem:$0xACE0] =	vst v0  }
0x7b: {  	[tilespmem:$0xACF0] =	vst v0  }
0x7c: {  	[tilespmem:$0xAD00] =	vst v0  }
0x7d: {  	[tilespmem:$0xAD10] =	vst v0  }
0x7e: {  	[tilespmem:$0xAD20] =	vst v0  }
0x7f: {  	[tilespmem:$0xAD30] =	vst v0  }
0x80: {  	[tilespmem:$0xAD40] =	vst v0  }
0x81: {  	[tilespmem:$0xAD50] =	vst v0  }
0x82: {  	[tilespmem:$0xAD60] =	vst v0  }
0x83: {  	[tilespmem:$0xAD70] =	vst v0  }
0x84: {  	[tilespmem:$0xAD80] =	vst v0  }
0x85: {  	[tilespmem:$0xAD90] =	vst v0  }
0x86: {  	[tilespmem:$0xADA0] =	vst v0  }
0x87: {  	[tilespmem:$0xADB0] =	vst v0  }
0x88: {  	[tilespmem:$0xADC0] =	vst v0  }
0x89: {  	[tilespmem:$0xADD0] =	vst v0  }
0x8a: {  	[tilespmem:$0xADE0] =	vst v0  }
0x8b: {  	[tilespmem:$0xADF0] =	vst v0  }
0x8c: {  	[tilespmem:$0xAE00] =	vst v0  }
0x8d: {  	[tilespmem:$0xAE10] =	vst v0  }
0x8e: {  	[tilespmem:$0xAE20] =	vst v0  }
0x8f: {  	[tilespmem:$0xAE30] =	vst v0  }
0x90: {  	[tilespmem:$0xAE40] =	vst v0  }
0x91: {  	[tilespmem:$0xAE50] =	vst v0  }
0x92: {  	[tilespmem:$0xAE60] =	vst v0  }
0x93: {  	[tilespmem:$0xAE70] =	vst v0  }
0x94: {  	[tilespmem:$0xAE80] =	vst v0  }
0x95: {  	[tilespmem:$0xAE90] =	vst v0  }
0x96: {  	[tilespmem:$0xAEA0] =	vst v0  }
0x97: {  	[tilespmem:$0xAEB0] =	vst v0  }
0x98: {  	[tilespmem:$0xAEC0] =	vst v0  }
0x99: {  	[tilespmem:$0xAED0] =	vst v0  }
0x9a: {  	[tilespmem:$0xAEE0] =	vst v0  }
0x9b: {  	[tilespmem:$0xAEF0] =	vst v0  }
0x9c: {  	[tilespmem:$0xAF00] =	vst v0  }
0x9d: {  	[tilespmem:$0xAF10] =	vst v0  }
0x9e: {  	[tilespmem:$0xAF20] =	vst v0  }
0x9f: {  	[tilespmem:$0xAF30] =	vst v0  }
0xa0: {  	[tilespmem:$0xAF40] =	vst v0  }
0xa1: {  	[tilespmem:$0xAF50] =	vst v0  }
0xa2: {  	[tilespmem:$0xAF60] =	vst v0  }
0xa3: {  	[tilespmem:$0xAF70] =	vst v0  }
0xa4: {  	[tilespmem:$0xAF80] =	vst v0  }
0xa5: {  	[tilespmem:$0xAF90] =	vst v0  }
0xa6: {  	[tilespmem:$0xAFA0] =	vst v0  }
0xa7: {  	[tilespmem:$0xAFB0] =	vst v0  }
0xa8: {  	[tilespmem:$0xAFC0] =	vst v0  }
0xa9: {  	[tilespmem:$0xAFD0] =	vst v0  }
0xaa: {  	[tilespmem:$0xAFE0] =	vst v0  }
0xab: {  	[tilespmem:$0xAFF0] =	vst v0;
	s10 =	rddreg [dreg:$0xb]  }
0xac: {  	[spmem:s5] =	stream.linear.scatter [tilespmem:s24], [sflag:$0x1], $0x800, $0x38;
	[tilespmem:$0x1EC00] =	vst v63  }
0xad: {  	s12 =	rddreg [dreg:$0xc]  }
0xae: {  	[spmem:s10] =	stream.linear.scatter [tilespmem:s24], [sflag:$0x1], $0x800, $0x38;
	[tilespmem:$0x1EC00] =	vst v63  }
0xaf: {  	s11 =	rddreg [dreg:$0xd]  }
0xb0: {  	[spmem:s12] =	stream.linear.scatter [tilespmem:s24], [sflag:$0x1], $0x800, $0x38;
	[tilespmem:$0x1EC00] =	vst v63  }
0xb1: {  	s12 =	rddreg [dreg:$0xe]  }
0xb2: {  	[spmem:s11] =	stream.linear.scatter [tilespmem:s24], [sflag:$0x1], $0x800, $0x38;
	[tilespmem:$0x1EC00] =	vst v63  }
0xb3: {  	s11 =	rddreg [dreg:$0xf]  }
0xb4: {  	[spmem:s12] =	stream.linear.scatter [tilespmem:s24], [sflag:$0x1], $0x800, $0x38;
	[tilespmem:$0x1EC00] =	vst v63  }
0xb5: {  	s12 =	rddreg [dreg:$0x10]  }
0xb6: {  	[spmem:s11] =	stream.linear.scatter [tilespmem:s24], [sflag:$0x1], $0x800, $0x38;
	[tilespmem:$0x1EC00] =	vst v63  }
0xb7: {  	s11 =	rddreg [dreg:$0x11]  }
0xb8: {  	[spmem:s12] =	stream.linear.scatter [tilespmem:s24], [sflag:$0x1], $0x800, $0x38;
	[tilespmem:$0x1EC00] =	vst v63  }
0xb9: {  	s12 =	rddreg [dreg:$0x12]  }
0xba: {  	[spmem:s11] =	stream.linear.scatter [tilespmem:s24], [sflag:$0x1], $0x800, $0x38;
	[tilespmem:$0x1EC00] =	vst v63  }
0xbb: {  	s11 =	rddreg [dreg:$0x13]  }
0xbc: {  	[spmem:s12] =	stream.linear.scatter [tilespmem:s24], [sflag:$0x1], $0x800, $0x38;
	[tilespmem:$0x1EC00] =	vst v63  }
0xbd: {  	s12 =	rddreg [dreg:$0x14]  }
0xbe: {  	[spmem:s11] =	stream.linear.scatter [tilespmem:s24], [sflag:$0x1], $0x800, $0x38;
	[tilespmem:$0x1EC00] =	vst v63  }
0xbf: {  	s11 =	rddreg [dreg:$0x15]  }
0xc0: {  	[spmem:s12] =	stream.linear.scatter [tilespmem:s24], [sflag:$0x1], $0x800, $0x38;
	[tilespmem:$0x1EC00] =	vst v63  }
0xc1: {  	s12 =	rddreg [dreg:$0x16]  }
0xc2: {  	[spmem:s11] =	stream.linear.scatter [tilespmem:s24], [sflag:$0x1], $0x800, $0x38;
	[tilespmem:$0x1EC00] =	vst v63  }
0xc3: {  	s11 =	rddreg [dreg:$0x17]  }
0xc4: {  	[spmem:s12] =	stream.linear.scatter [tilespmem:s24], [sflag:$0x1], $0x800, $0x38;
	[tilespmem:$0x1EC00] =	vst v63  }
0xc5: {  	s12 =	rddreg [dreg:$0x18]  }
0xc6: {  	[spmem:s11] =	stream.linear.scatter [tilespmem:s24], [sflag:$0x1], $0x800, $0x38;
	[tilespmem:$0x1EC00] =	vst v63  }
0xc7: {  	s11 =	rddreg [dreg:$0x19]  }
0xc8: {  	[spmem:s12] =	stream.linear.scatter [tilespmem:s24], [sflag:$0x1], $0x800, $0x38;
	[tilespmem:$0x1EC00] =	vst v63  }
0xc9: {  	s12 =	rddreg [dreg:$0x1a]  }
0xca: {  	[spmem:s11] =	stream.linear.scatter [tilespmem:s24], [sflag:$0x1], $0x800, $0x38;
	[tilespmem:$0x1EC00] =	vst v63  }
0xcb: {  	s11 =	rddreg [dreg:$0x1b]  }
0xcc: {  	[spmem:s12] =	stream.linear.scatter [tilespmem:s24], [sflag:$0x1], $0x800, $0x38;
	[tilespmem:$0x1EC00] =	vst v63  }
0xcd: {  	s12 =	rddreg [dreg:$0x1c]  }
0xce: {  	[spmem:s11] =	stream.linear.scatter [tilespmem:s24], [sflag:$0x1], $0x800, $0x38;
	[tilespmem:$0x1EC00] =	vst v63  }
0xcf: {  	s11 =	rddreg [dreg:$0x1d]  }
0xd0: {  	[spmem:s12] =	stream.linear.scatter [tilespmem:s24], [sflag:$0x1], $0x800, $0x38;
	[tilespmem:$0x1EC00] =	vst v63  }
0xd1: {  	s12 =	rddreg [dreg:$0x1e]  }
0xd2: {  	[spmem:s11] =	stream.linear.scatter [tilespmem:s24], [sflag:$0x1], $0x800, $0x38;
	[tilespmem:$0x1EC00] =	vst v63  }
0xd3: {  	s11 =	rddreg [dreg:$0x1f]  }
0xd4: {  	[spmem:s12] =	stream.linear.scatter [tilespmem:s24], [sflag:$0x1], $0x800, $0x38;
	[tilespmem:$0x1EC00] =	vst v63  }
0xd5: {  	s12 =	sld [smem:$0x7F8]  }
0xd6: {  	[spmem:s11] =	stream.linear.scatter [tilespmem:s24], [sflag:$0x1], $0x800, $0x38;
	[tilespmem:$0x1EC00] =	vst v63  }
0xd7: {  	s11 =	sld [smem:$0x7F9]  }
0xd8: {  	[spmem:s12] =	stream.linear.scatter [tilespmem:s24], [sflag:$0x1], $0x800, $0x38;
	[tilespmem:$0x1EC00] =	vst v63  }
0xd9: {  	s12 =	sld [smem:$0x7FA]  }
0xda: {  	[spmem:s11] =	stream.linear.scatter [tilespmem:s24], [sflag:$0x1], $0x800, $0x38;
	[tilespmem:$0x1EC00] =	vst v63  }
0xdb: {  	s11 =	sld [smem:$0x7FB]  }
0xdc: {  	[spmem:s12] =	stream.linear.scatter [tilespmem:s24], [sflag:$0x1], $0x800, $0x38;
	[tilespmem:$0x1EC00] =	vst v63  }
0xdd: {  	s12 =	sld [smem:$0x7FC]  }
0xde: {  	[spmem:s11] =	stream.linear.scatter [tilespmem:s24], [sflag:$0x1], $0x800, $0x38;
	[tilespmem:$0x1EC00] =	vst v63  }
0xdf: {  	s11 =	sld [smem:$0x7FD]  }
0xe0: {  	[spmem:s12] =	stream.linear.scatter [tilespmem:s24], [sflag:$0x1], $0x800, $0x38;
	[tilespmem:$0x1EC00] =	vst v63  }
0xe1: {  	_ = 	snop  }
0xe2: {  	[spmem:s11] =	stream.linear.scatter [tilespmem:s24], [sflag:$0x1], $0x800, $0x38;
	[tilespmem:$0x1EC00] =	vst v63  }
0xe3: {  	_ = 	snop  }
0xe4: {  	[spmem:s13] =	stream.linear.scatter [tilespmem:s24], [sflag:$0x1], $0x800, $0x38;
	[tilespmem:$0x1EC00] =	vst v63  }
0xe5: {  	_ = 	snop  }
0xe6: {  	[spmem:s14] =	stream.linear.scatter [tilespmem:s24], [sflag:$0x1], $0x800, $0x38;
	[tilespmem:$0x1EC00] =	vst v63  }
0xe7: {  	_ = 	snop  }
0xe8: {  	[spmem:s15] =	stream.linear.scatter [tilespmem:s24], [sflag:$0x1], $0x800, $0x38;
	[tilespmem:$0x1EC00] =	vst v63  }
0xe9: {  	_ = 	snop  }
0xea: {  	[spmem:s16] =	stream.linear.scatter [tilespmem:s24], [sflag:$0x1], $0x800, $0x38;
	[tilespmem:$0x1EC00] =	vst v63  }
0xeb: {  	_ = 	snop  }
0xec: {  	[spmem:s17] =	stream.linear.scatter [tilespmem:s24], [sflag:$0x1], $0x800, $0x38;
	[tilespmem:$0x1EC00] =	vst v63  }
0xed: {  	_ = 	snop  }
0xee: {  	[spmem:s18] =	stream.linear.scatter [tilespmem:s24], [sflag:$0x1], $0x800, $0x38;
	[tilespmem:$0x1EC00] =	vst v63  }
0xef: {  	_ = 	snop  }
0xf0: {  	[spmem:s19] =	stream.linear.scatter [tilespmem:s24], [sflag:$0x1], $0x800, $0x38;
	[tilespmem:$0x1EC00] =	vst v63  }
0xf1: {  	_ = 	snop  }
0xf2: {  	[spmem:s20] =	stream.linear.scatter [tilespmem:s24], [sflag:$0x1], $0x800, $0x38;
	[tilespmem:$0x1EC00] =	vst v63  }
0xf3: {  	_ = 	snop  }
0xf4: {  	[spmem:s21] =	stream.linear.scatter [tilespmem:s24], [sflag:$0x1], $0x800, $0x38;
	[tilespmem:$0x1EC00] =	vst v63  }
0xf5: {  	_ = 	snop  }
0xf6: {  	[spmem:s22] =	stream.linear.scatter [tilespmem:s24], [sflag:$0x1], $0x800, $0x38;
	[tilespmem:$0x1EC00] =	vst v63  }
0xf7: {  	_ = 	snop  }
0xf8: {  	[spmem:s23] =	stream.linear.scatter [tilespmem:s24], [sflag:$0x1], $0x800, $0x38;
	[tilespmem:$0x1EC00] =	vst v63  }
0xf9: {  	s12 =	rddreg [dreg:$0x4]  }
0xfa: {  	[spmem:s12] =	stream.linear.scatter [tilespmem:s24], [sflag:$0x2], $0x400, $0x38;
	[tilespmem:$0x1EC00] =	vst v63  }
0xfb: {  	_ =	swait.ge [sflag:s25], $0x800  }
0xfc: {  	s10 =	simm.s32 $0x26;
	[sflag:s25] =	ssyncset.done $0x0  }
.LBB2_2:
0xfd: {  	p0 =	sne.s32 s10, $0x1;
	s10 =	sadd.s32 $0xFFFFFFFF, s10;
	[sflag:s25] =	ssyncadd.s32 $0xFFFFF800  }
.Ltmp0:
0xfe: {  	(pc) =	sbr.rel @p0 .LBB2_2-.Ltmp0, $3  }
0xff: {  	_ =	sdelay $0x1  }
0x100: {  	_ =	swait.ge [sflag:s25], $0x800  }
0x101: {  	[sflag:s25] =	ssyncset.done $0x0  }
0x102: {  	[sflag:s25] =	ssyncadd.s32 $0xFFFFF800  }
0x103: {  	_ =	swait.ge [sflag:s26], $0x400  }
0x104: {  	[sflag:s26] =	ssyncset.done $0x0  }
0x105: {  	s10 =	simm.s32 $0x0;
	s11 =	rddreg [dreg:$0x5];
	[sflag:s26] =	ssyncadd.s32 $0xFFFFFC00  }
0x106: {  	[tilespmem:s10], [sflag:$0x3] =	stream.linear.gather [hbm4b:s11+s10], $0x1400, $0x38;
	[tilespmem:$0x1EC00] =	vst v63  }
0x107: {  	s12 =	rddreg [dreg:$0x6]  }
0x108: {  	[tilespmem:s28], [sflag:$0x4] =	stream.linear.gather [hbm4b:s12+s10], $0x1400, $0x38;
	[tilespmem:$0x1EC00] =	vst v63  }
0x109: {  	_ =	swait.ge [sflag:s29], $0x1400  }
0x10a: {  	[sflag:s29] =	ssyncset.done $0x0  }
0x10b: {  	[sflag:s29] =	ssyncadd.s32 $0xFFFFEC00  }
0x10c: {  	_ =	swait.ge [sflag:s30], $0x1400  }
0x10d: {  	[sflag:s30] =	ssyncset.done $0x0  }
0x10e: {  	[sflag:s30] =	ssyncadd.s32 $0xFFFFEC00  }
0x10f: {  	[tilespmem:s1], [sflag:$0x1] =	stream.indirect.gather [hbm4b:s2+s31], $0x80, s10, s31, $0xb8;
	[tilespmem:$0x1EC00] =	vst v63  }
0x110: {  	_ = 	snop  }
0x111: {  	[tilespmem:s6], [sflag:$0x2] =	stream.indirect.gather [hbm4b:s2+s31], $0x80, s0, s31, $0xb8;
	[tilespmem:$0x1EC00] =	vst v63  }
0x112: {  	[bflag:$0x0] =	sbarrier.arrive $0xFFFF  }
0x113: {  	_ =	swait.ge [sflag:s25], $0x3E80  }
0x114: {  	[sflag:s25] =	ssyncset.done $0x0  }
0x115: {  	s12 =	simm.s32 $0x1400;
	[sflag:s25] =	ssyncadd.s32 $0xFFFFC180  }
0x116: {  	[spmem:s3] =	stream.indirect.scatter.add.f32 [tilespmem:s1], [sflag:$0x3], $0x80, s12, s31, $0xb8;
	[tilespmem:$0x1EC00] =	vst v63  }
0x117: {  	_ =	swait.ge [sflag:s26], $0x3E80  }
0x118: {  	[sflag:s26] =	ssyncset.done $0x0  }
0x119: {  	[sflag:s26] =	ssyncadd.s32 $0xFFFFC180  }
0x11a: {  	_ =	swait.ge [sflag:s29], $0x3E80  }
0x11b: {  	[sflag:s29] =	ssyncset.done $0x0  }
0x11c: {  	s11 =	simm.s32 $0x100;
	[sflag:s29] =	ssyncadd.s32 $0xFFFFC180  }
0x11d: {  	[tilespmem:s1], [sflag:$0x1] =	stream.indirect.gather [hbm4b:s2+s31], $0x80, s11, s31, $0xb8;
	[tilespmem:$0x1EC00] =	vst v63  }
0x11e: {  	s12 =	simm.s32 $0x1480  }
0x11f: {  	[spmem:s3] =	stream.indirect.scatter.add.f32 [tilespmem:s6], [sflag:$0x4], $0x80, s12, s31, $0xb8;
	[tilespmem:$0x1EC00] =	vst v63  }
0x120: {  	_ =	swait.ge [sflag:s30], $0x3E80  }
0x121: {  	[sflag:s30] =	ssyncset.done $0x0  }
0x122: {  	s10 =	simm.s32 $0x400;
	s11 =	simm.s32 $0x180;
	[sflag:s30] =	ssyncadd.s32 $0xFFFFC180  }
.LBB2_4:
0x123: {  	[tilespmem:s6], [sflag:$0x2] =	stream.indirect.gather [hbm4b:s2+s31], $0x80, s11, s31, $0xb8;
	[tilespmem:$0x1EC00] =	vst v63  }
0x124: {  	s11 =	smov.u32 s10  }
0x125: {  	p0 =	sne.s32 s10, $0x4800;
	s10 =	sadd.s32 $0x400, s10;
	_ =	swait.ge [sflag:s25], $0x3E80  }
0x126: {  	s11 =	sshra.s32 s11, $0x2;
	[sflag:s25] =	ssyncset.done $0x0  }
0x127: {  	s12 =	sadd.s32 $0x1400, s11;
	[sflag:s25] =	ssyncadd.s32 $0xFFFFC180  }
0x128: {  	[spmem:s3] =	stream.indirect.scatter.add.f32 [tilespmem:s1], [sflag:$0x3], $0x80, s12, s31, $0xb8;
	[tilespmem:$0x1EC00] =	vst v63  }
0x129: {  	_ =	swait.ge [sflag:s26], $0x3E80  }
0x12a: {  	[sflag:s26] =	ssyncset.done $0x0  }
0x12b: {  	[sflag:s26] =	ssyncadd.s32 $0xFFFFC180  }
0x12c: {  	_ =	swait.ge [sflag:s29], $0x3E80  }
0x12d: {  	[sflag:s29] =	ssyncset.done $0x0  }
0x12e: {  	s12 =	sadd.s32 $0x100, s11;
	[sflag:s29] =	ssyncadd.s32 $0xFFFFC180  }
0x12f: {  	[tilespmem:s1], [sflag:$0x1] =	stream.indirect.gather [hbm4b:s2+s31], $0x80, s12, s31, $0xb8;
	[tilespmem:$0x1EC00] =	vst v63  }
.Ltmp1:
0x130: {  	s12 =	sadd.s32 $0x1480, s11;
	(pc) =	sbr.rel @p0 .LBB2_4-.Ltmp1, $4  }
0x131: {  	[spmem:s3] =	stream.indirect.scatter.add.f32 [tilespmem:s6], [sflag:$0x4], $0x80, s12, s31, $0xb8;
	[tilespmem:$0x1EC00] =	vst v63  }
0x132: {  	_ =	swait.ge [sflag:s30], $0x3E80  }
0x133: {  	[sflag:s30] =	ssyncset.done $0x0  }
0x134: {  	s11 =	sadd.s32 $0x180, s11;
	[sflag:s30] =	ssyncadd.s32 $0xFFFFC180  }
0x135: {  	[tilespmem:s6], [sflag:$0x2] =	stream.indirect.gather [hbm4b:s2+s31], $0x80, s11, s31, $0xb8;
	[tilespmem:$0x1EC00] =	vst v63  }
0x136: {  	_ =	swait.ge [sflag:s25], $0x3E80  }
0x137: {  	[sflag:s25] =	ssyncset.done $0x0  }
0x138: {  	[sflag:s25] =	ssyncadd.s32 $0xFFFFC180  }
0x139: {  	[spmem:s3] =	stream.indirect.scatter.add.f32 [tilespmem:s1], [sflag:$0x3], $0x80, s7, s31, $0xb8;
	[tilespmem:$0x1EC00] =	vst v63  }
0x13a: {  	_ =	swait.ge [sflag:s26], $0x3E80  }
0x13b: {  	[sflag:s26] =	ssyncset.done $0x0  }
0x13c: {  	[sflag:s26] =	ssyncadd.s32 $0xFFFFC180  }
0x13d: {  	_ =	swait.ge [sflag:s29], $0x3E80  }
0x13e: {  	[sflag:s29] =	ssyncset.done $0x0  }
0x13f: {  	[sflag:s29] =	ssyncadd.s32 $0xFFFFC180  }
0x140: {  	[spmem:s3] =	stream.indirect.scatter.add.f32 [tilespmem:s6], [sflag:$0x4], $0x80, s8, s31, $0xb8;
	[tilespmem:$0x1EC00] =	vst v63  }
0x141: {  	_ =	swait.ge [sflag:s30], $0x3E80  }
0x142: {  	[sflag:s30] =	ssyncset.done $0x0  }
0x143: {  	s10 =	simm.s32 $0x0;
	s12 =	rddreg [dreg:$0x7];
	[sflag:s30] =	ssyncadd.s32 $0xFFFFC180  }
0x144: {  	[tilespmem:s10], [sflag:$0x3] =	stream.linear.gather [hbm4b:s12+s10], $0x1400, $0x38;
	[tilespmem:$0x1EC00] =	vst v63  }
0x145: {  	s12 =	rddreg [dreg:$0x8]  }
0x146: {  	[tilespmem:s28], [sflag:$0x4] =	stream.linear.gather [hbm4b:s12+s10], $0x1400, $0x38;
	[tilespmem:$0x1EC00] =	vst v63  }
0x147: {  	_ =	swait.ge [sflag:s29], $0x1400  }
0x148: {  	[sflag:s29] =	ssyncset.done $0x0  }
0x149: {  	[sflag:s29] =	ssyncadd.s32 $0xFFFFEC00  }
0x14a: {  	_ =	swait.ge [sflag:s30], $0x1400  }
0x14b: {  	[sflag:s30] =	ssyncset.done $0x0  }
0x14c: {  	[sflag:s30] =	ssyncadd.s32 $0xFFFFEC00  }
0x14d: {  	[tilespmem:s1], [sflag:$0x1] =	stream.indirect.gather [hbm4b:s2+s31], $0x80, s10, s31, $0xb8;
	[tilespmem:$0x1EC00] =	vst v63  }
0x14e: {  	_ = 	snop  }
0x14f: {  	[tilespmem:s6], [sflag:$0x2] =	stream.indirect.gather [hbm4b:s2+s31], $0x80, s0, s31, $0xb8;
	[tilespmem:$0x1EC00] =	vst v63  }
0x150: {  	_ =	swait.ge [sflag:s25], $0x3E80  }
0x151: {  	[sflag:s25] =	ssyncset.done $0x0  }
0x152: {  	s12 =	simm.s32 $0x1400;
	[sflag:s25] =	ssyncadd.s32 $0xFFFFC180  }
0x153: {  	[spmem:s3] =	stream.indirect.scatter.add.f32 [tilespmem:s1], [sflag:$0x3], $0x80, s12, s31, $0xb8;
	[tilespmem:$0x1EC00] =	vst v63  }
0x154: {  	_ =	swait.ge [sflag:s26], $0x3E80  }
0x155: {  	[sflag:s26] =	ssyncset.done $0x0  }
0x156: {  	[sflag:s26] =	ssyncadd.s32 $0xFFFFC180  }
0x157: {  	_ =	swait.ge [sflag:s29], $0x3E80  }
0x158: {  	[sflag:s29] =	ssyncset.done $0x0  }
0x159: {  	s11 =	simm.s32 $0x100;
	[sflag:s29] =	ssyncadd.s32 $0xFFFFC180  }
0x15a: {  	[tilespmem:s1], [sflag:$0x1] =	stream.indirect.gather [hbm4b:s2+s31], $0x80, s11, s31, $0xb8;
	[tilespmem:$0x1EC00] =	vst v63  }
0x15b: {  	s12 =	simm.s32 $0x1480  }
0x15c: {  	[spmem:s3] =	stream.indirect.scatter.add.f32 [tilespmem:s6], [sflag:$0x4], $0x80, s12, s31, $0xb8;
	[tilespmem:$0x1EC00] =	vst v63  }
0x15d: {  	_ =	swait.ge [sflag:s30], $0x3E80  }
0x15e: {  	[sflag:s30] =	ssyncset.done $0x0  }
0x15f: {  	s10 =	simm.s32 $0x400;
	s11 =	simm.s32 $0x180;
	[sflag:s30] =	ssyncadd.s32 $0xFFFFC180  }
.LBB2_6:
0x160: {  	[tilespmem:s6], [sflag:$0x2] =	stream.indirect.gather [hbm4b:s2+s31], $0x80, s11, s31, $0xb8;
	[tilespmem:$0x1EC00] =	vst v63  }
0x161: {  	s11 =	smov.u32 s10  }
0x162: {  	p0 =	sne.s32 s10, $0x4800;
	s10 =	sadd.s32 $0x400, s10;
	_ =	swait.ge [sflag:s25], $0x3E80  }
0x163: {  	s11 =	sshra.s32 s11, $0x2;
	[sflag:s25] =	ssyncset.done $0x0  }
0x164: {  	s12 =	sadd.s32 $0x1400, s11;
	[sflag:s25] =	ssyncadd.s32 $0xFFFFC180  }
0x165: {  	[spmem:s3] =	stream.indirect.scatter.add.f32 [tilespmem:s1], [sflag:$0x3], $0x80, s12, s31, $0xb8;
	[tilespmem:$0x1EC00] =	vst v63  }
0x166: {  	_ =	swait.ge [sflag:s26], $0x3E80  }
0x167: {  	[sflag:s26] =	ssyncset.done $0x0  }
0x168: {  	[sflag:s26] =	ssyncadd.s32 $0xFFFFC180  }
0x169: {  	_ =	swait.ge [sflag:s29], $0x3E80  }
0x16a: {  	[sflag:s29] =	ssyncset.done $0x0  }
0x16b: {  	s12 =	sadd.s32 $0x100, s11;
	[sflag:s29] =	ssyncadd.s32 $0xFFFFC180  }
0x16c: {  	[tilespmem:s1], [sflag:$0x1] =	stream.indirect.gather [hbm4b:s2+s31], $0x80, s12, s31, $0xb8;
	[tilespmem:$0x1EC00] =	vst v63  }
.Ltmp2:
0x16d: {  	s12 =	sadd.s32 $0x1480, s11;
	(pc) =	sbr.rel @p0 .LBB2_6-.Ltmp2, $4  }
0x16e: {  	[spmem:s3] =	stream.indirect.scatter.add.f32 [tilespmem:s6], [sflag:$0x4], $0x80, s12, s31, $0xb8;
	[tilespmem:$0x1EC00] =	vst v63  }
0x16f: {  	_ =	swait.ge [sflag:s30], $0x3E80  }
0x170: {  	[sflag:s30] =	ssyncset.done $0x0  }
0x171: {  	s11 =	sadd.s32 $0x180, s11;
	[sflag:s30] =	ssyncadd.s32 $0xFFFFC180  }
0x172: {  	[tilespmem:s6], [sflag:$0x2] =	stream.indirect.gather [hbm4b:s2+s31], $0x80, s11, s31, $0xb8;
	[tilespmem:$0x1EC00] =	vst v63  }
0x173: {  	_ =	swait.ge [sflag:s25], $0x3E80  }
0x174: {  	[sflag:s25] =	ssyncset.done $0x0  }
0x175: {  	[sflag:s25] =	ssyncadd.s32 $0xFFFFC180  }
0x176: {  	[spmem:s3] =	stream.indirect.scatter.add.f32 [tilespmem:s1], [sflag:$0x3], $0x80, s7, s31, $0xb8;
	[tilespmem:$0x1EC00] =	vst v63  }
0x177: {  	_ =	swait.ge [sflag:s26], $0x3E80  }
0x178: {  	[sflag:s26] =	ssyncset.done $0x0  }
0x179: {  	[sflag:s26] =	ssyncadd.s32 $0xFFFFC180  }
0x17a: {  	_ =	swait.ge [sflag:s29], $0x3E80  }
0x17b: {  	[sflag:s29] =	ssyncset.done $0x0  }
0x17c: {  	[sflag:s29] =	ssyncadd.s32 $0xFFFFC180  }
0x17d: {  	[spmem:s3] =	stream.indirect.scatter.add.f32 [tilespmem:s6], [sflag:$0x4], $0x80, s8, s31, $0xb8;
	[tilespmem:$0x1EC00] =	vst v63  }
0x17e: {  	_ =	swait.ge [sflag:s30], $0x3E80  }
0x17f: {  	[sflag:s30] =	ssyncset.done $0x0  }
0x180: {  	s10 =	stileid.u32;
	[sflag:s30] =	ssyncadd.s32 $0xFFFFC180  }
0x181: {  	s10 =	sshll.u32 s10, $0x6;
	[bflag:$0x0] =	sbarrier.arrive $0xFFFF  }
0x182: {  	s11 =	sshrl.u32 s5, $0x3;
	s10 =	sor.u32 $0x1C05, s10;
	s12 =	rddreg [dreg:$0x9]  }
0x183: {  	[hbm:s12], [sflag:s10] =	dma.local [spmem:s11], $0x2780  }
0x184: {  	_ =	swait.ge [sflag:s9], $0x2780  }
0x185: {  	s4 =	sadd.s32 $0x1, s4;
	s12 =	rddreg [dreg:$0xa]  }
0x186: {  	p0 =	sne.s32 s4, s12  }
.Ltmp3:
0x187: {  	_ = 	snop;
	(pc) =	sbr.rel @p0 .LBB2_1-.Ltmp3, $3  }
0x188: {  	_ =	sdelay $0x1  }
0x189: {  	[sflag:s9] =	ssyncset.done $0x0  }
0x18a: {  	[sflag:s9] =	ssyncadd.s32 $0xFFFFD880  }
0x18b: {  	_ =	sfence.sel $0x180000  }
0x18c: {  	[bflag:$0x0] =	sbarrier.arrive $0xFFFF  }
0x18d: {  	_ =	strace $0x90000047  }
0x18e: {  	s0 =	stileid.u32;
	[bflag:$0x2] =	sbarrier.arrive $0xFFFF  }
0x18f: {  	p0 =	sne.s32 s0, $0x0;
	s0 =	rddreg [dreg:$0x3]  }
0x190: {  	s0 =	sadd.s32 @!p0 $0x100000, s0  }
0x191: {  	[sflag:s0] =	ssyncadd.tile.s32 @!p0 $0x1;
	_ =	shalt  }
.Lfunc_end2:
_tile_overlayer_lowered:
.L_overlay_start_2:
0x192: {  	(tag) =	ssettag $0x2  }
0x193: {  	s0 =	rddreg [dreg:$0x0];
	s2 =	stileid.u32  }
0x194: {  	s1 =	rddreg [dreg:$0x1];
	p0 =	sne.s32 s2, $0x0  }
0x195: {  	s3 =	rddreg [dreg:$0x2];
	[bflag:$0x3] =	sbarrier.arrive $0xFFFF;
	s2 =	simm.s32 @!p0 $0x1C05  }
0x196: {  	[timem:s3], [sflag:s2] =	dma.local @!p0 [hbm:s0], s1  }
0x197: {  	s0 =	simm.s32 @!p0 $0x5  }
0x198: {  	_ =	swait.ge @!p0 [sflag:s0], s1  }
0x199: {  	s1 =	ssub.s32 @!p0 $0x0, s1;
	[sflag:s0] =	ssyncset.done @!p0 $0x0  }
0x19a: {  	[sflag:s0] =	ssyncadd.s32 @!p0 s1  }
0x19b: {  	[bflag:$0x3] =	sbarrier.arrive $0xFFFF  }
0x19c: {  	_ =	shalt  }

</sc_bundles>
